<compile_context>
chip_gen: v7x
topology: tpu7x:2x2x1
jax: 0.10.2.dev20260603
libtpu: 0.0.44.dev20260713+nightly
codegen_flags: <defaults>
</compile_context>

<pallas_src>
import jax
import jax.numpy as jnp
from jax import lax
from jax.experimental import pallas as pl
from jax.experimental.pallas import tpu as pltpu
from jax.experimental.pallas import tpu_sc as plsc

_NE = 8
_HD = 768
_NTOK = 32768
_NC, _NS, _L = 2, 16, 16
_NW = _NC * _NS
_CHUNK = _NTOK // _NW
_KSPLIT = 2


def _tc_logits_body(*refs):
    hs_refs = refs[:_KSPLIT]
    w_refs = refs[_KSPLIT:2 * _KSPLIT]
    b_ref = refs[2 * _KSPLIT]
    out_ref = refs[2 * _KSPLIT + 1]
    acc = b_ref[...]
    for hs_r, w_r in zip(hs_refs, w_refs):
        acc = acc + lax.dot_general(
            w_r[...], hs_r[...],
            dimension_numbers=(((1,), (1,)), ((), ())),
            preferred_element_type=jnp.float32)
    out_ref[...] = acc


def _sc_router_body(lg_hbm, outw_hbm, oute_hbm, lg_v, ow_v, oe1_v, oe2_v,
                    sem):
    wid = lax.axis_index("s") * _NC + lax.axis_index("c")
    base = wid * _CHUNK
    bidx = wid // (_NTOK // _CHUNK // 4)
    r0 = (wid % (_NTOK // _CHUNK // 4)) * _CHUNK
    copies = [
        pltpu.async_copy(lg_hbm.at[e, pl.ds(base, _CHUNK)],
                         lg_v.at[pl.ds(e * _CHUNK, _CHUNK)], sem)
        for e in range(_NE)
    ]
    for c in copies:
        c.wait()

    def group(j, carry):
        t = j * _L
        m1 = lg_v[pl.ds(t, _L)]
        a1 = jnp.zeros((_L,), jnp.int32)
        m2 = jnp.full((_L,), -jnp.inf, jnp.float32)
        a2 = jnp.zeros((_L,), jnp.int32)
        for e in range(1, _NE):
            le = lg_v[pl.ds(e * _CHUNK + t, _L)]
            gt1 = le > m1
            gt2 = le > m2
            m2 = jnp.where(gt1, m1, jnp.where(gt2, le, m2))
            a2 = jnp.where(gt1, a1, jnp.where(gt2, e, a2))
            m1 = jnp.where(gt1, le, m1)
            a1 = jnp.where(gt1, e, a1)
        ex = jnp.exp(m2 - m1)
        denom = ex + 1.0
        w1 = 1.0 / denom
        w2 = ex / denom
        for e in range(_NE):
            col = jnp.where(a1 == e, w1, jnp.where(a2 == e, w2, 0.0))
            ow_v[pl.ds(e * _CHUNK + t, _L)] = col
        oe1_v[pl.ds(t, _L)] = a1
        oe2_v[pl.ds(t, _L)] = a2
        return carry

    lax.fori_loop(0, _CHUNK // _L, group, 0)
    copies = [
        pltpu.async_copy(ow_v.at[pl.ds(e * _CHUNK, _CHUNK)],
                         outw_hbm.at[bidx, e, pl.ds(r0, _CHUNK)], sem)
        for e in range(_NE)
    ]
    copies.append(pltpu.async_copy(oe1_v, oute_hbm.at[0, pl.ds(base, _CHUNK)],
                                   sem))
    copies.append(pltpu.async_copy(oe2_v, oute_hbm.at[1, pl.ds(base, _CHUNK)],
                                   sem))
    for c in copies:
        c.wait()


def kernel(hidden_states, weight, bias):
    b, s, h = hidden_states.shape
    n_tok = b * s
    hs = hidden_states.reshape(n_tok, h)

    bt = 4096
    kb = h // _KSPLIT
    hs_specs = [
        pl.BlockSpec((bt, kb), lambda i, k=k: (i, k)) for k in range(_KSPLIT)
    ]
    w_specs = [
        pl.BlockSpec((_NE, kb), lambda i, k=k: (0, k)) for k in range(_KSPLIT)
    ]
    logits = pl.pallas_call(
        _tc_logits_body,
        grid=(n_tok // bt,),
        in_specs=hs_specs + w_specs + [pl.BlockSpec((_NE, 1), lambda i: (0, 0))],
        out_specs=pl.BlockSpec((_NE, bt), lambda i: (0, i)),
        out_shape=jax.ShapeDtypeStruct((_NE, n_tok), jnp.float32),
    )(*([hs] * _KSPLIT), *([weight] * _KSPLIT), bias.reshape(_NE, 1))

    router = pl.kernel(
        _sc_router_body,
        out_type=(jax.ShapeDtypeStruct((b, _NE, s), jnp.float32),
                  jax.ShapeDtypeStruct((2, n_tok), jnp.int32)),
        mesh=plsc.VectorSubcoreMesh(core_axis_name="c", subcore_axis_name="s"),
        compiler_params=pltpu.CompilerParams(needs_layout_passes=False,
                                             skip_device_barrier=True),
        scratch_types=[pltpu.VMEM((_CHUNK * _NE,), jnp.float32),
                       pltpu.VMEM((_CHUNK * _NE,), jnp.float32),
                       pltpu.VMEM((_CHUNK,), jnp.int32),
                       pltpu.VMEM((_CHUNK,), jnp.int32),
                       pltpu.SemaphoreType.DMA],
    )
    wf_t, ef_t = router(logits)
    return wf_t.transpose(0, 2, 1), ef_t.T

# --- scband reference (transcript-rebuilt; emitter-appended) ---
"""Pipeline reference for scband-reference-top-krouter-28767690949267 (READ-ONLY COPY).

The authoritative reference and input builder live on the scoring server;
editing this copy changes nothing except your own understanding.
"""

import jax, jax.numpy as jnp
import numpy as np

TOP_K = 2
NUM_EXPERTS = 8
HIDDEN_DIM = 768
BATCH = 4
SEQ_LEN = 8192


def setup_inputs(seed: int = 0) -> dict:
    key = jax.random.key(seed)
    k1, k2, k3 = jax.random.split(key, 3)
    hidden_states = jax.random.normal(k1, (BATCH, SEQ_LEN, HIDDEN_DIM), dtype=jnp.float32)
    weight = jax.random.normal(k2, (NUM_EXPERTS, HIDDEN_DIM), dtype=jnp.float32)
    bias = jax.random.normal(k3, (NUM_EXPERTS,), dtype=jnp.float32)
    return {"hidden_states": hidden_states, "weight": weight, "bias": bias}


def reference(hidden_states, weight, bias):
    batch_size, seq_len = hidden_states.shape[:2]
    hs = hidden_states.reshape(-1, HIDDEN_DIM)
    # router_logits = F.linear(hs, weight, bias)
    router_logits = hs @ weight.T + bias
    routing_weights, selected_experts = jax.lax.top_k(router_logits, TOP_K)
    routing_weights = jax.nn.softmax(routing_weights.astype(jnp.float32), axis=-1).astype(hs.dtype)
    n_tok = router_logits.shape[0]
    rows = jnp.arange(n_tok)[:, None]
    final_routing_weights = jnp.zeros_like(router_logits).at[rows, selected_experts].set(routing_weights)
    return (final_routing_weights.reshape(batch_size, seq_len, -1), selected_experts)

if __name__ == "__main__":
    import jax
    _d = setup_inputs()
    print(jax.jit(kernel)(*tuple(_d.values())))

</pallas_src>

<mosaic_0001>
#map = affine_map<(d0, d1) -> (0, 0)>
#map1 = affine_map<(d0, d1) -> (0, 0, 0)>
module attributes {stable_mosaic.version = 14 : i64} {
  func.func @_sc_router_body(%arg0: i32, %arg1: i32, %arg2: memref<8x32768xf32, #tpu.memory_space<hbm>>, %arg3: memref<4x8x8192xf32, #tpu.memory_space<hbm>>, %arg4: memref<2x32768xi32, #tpu.memory_space<hbm>>, %arg5: memref<8192xf32, #tpu.memory_space<vmem>>, %arg6: memref<8192xf32, #tpu.memory_space<vmem>>, %arg7: memref<1024xi32, #tpu.memory_space<vmem>>, %arg8: memref<1024xi32, #tpu.memory_space<vmem>>, %arg9: memref<!tpu.dma_semaphore, #tpu.memory_space<semaphore_mem>>) attributes {dimension_semantics = [#tpu.dimension_semantics<core_parallel>, #tpu.dimension_semantics<subcore_parallel>], iteration_bounds = array<i64: 2, 16>, scalar_prefetch = 0 : i64, scratch_operands = 5 : i64, tpu.core_type = #tpu.core_type<sc_vector_subcore>, window_params = [{transform_indices = #map}, {transform_indices = #map1}, {transform_indices = #map}]} {
    %mul3A = arith.constant 2 : i32
    %mul3A_0 = arith.muli %arg1, %mul3A : i32
    %add3A = arith.addi %mul3A_0, %arg0 : i32
    %mul3A_1 = arith.constant 1024 : i32
    %mul3A_2 = arith.muli %add3A, %mul3A_1 : i32
    %jit3A = arith.constant 8 : i32
    %div3A = arith.divsi %add3A, %jit3A : i32
    %sign3A = arith.constant 0 : i32
    %sign3A_3 = arith.cmpi sgt, %add3A, %sign3A : i32
    %sign3A_4 = arith.extui %sign3A_3 : i1 to i32
    %sign3A_5 = arith.constant 0 : i32
    %sign3A_6 = arith.cmpi slt, %add3A, %sign3A_5 : i32
    %sign3A_7 = arith.extui %sign3A_6 : i1 to i32
    %sign3A_8 = arith.subi %sign3A_4, %sign3A_7 : i32
    %sign3A_9 = arith.constant 0 : i32
    %sign3A_10 = arith.cmpi sgt, %jit3A, %sign3A_9 : i32
    %sign3A_11 = arith.extui %sign3A_10 : i1 to i32
    %sign3A_12 = arith.constant 0 : i32
    %sign3A_13 = arith.cmpi slt, %jit3A, %sign3A_12 : i32
    %sign3A_14 = arith.extui %sign3A_13 : i1 to i32
    %sign3A_15 = arith.subi %sign3A_11, %sign3A_14 : i32
    %ne3A = arith.cmpi ne, %sign3A_8, %sign3A_15 : i32
    %rem3A = arith.remsi %add3A, %jit3A : i32
    %ne3A_16 = arith.constant 0 : i32
    %ne3A_17 = arith.cmpi ne, %rem3A, %ne3A_16 : i32
    %and3A = arith.andi %ne3A, %ne3A_17 : i1
    %sub3A = arith.constant 1 : i32
    %sub3A_18 = arith.subi %div3A, %sub3A : i32
    %select_n3A = arith.select %and3A, %sub3A_18, %div3A : i32
    %jit3A_19 = arith.constant 8 : i32
    %eq3A = arith.constant 0 : i32
    %eq3A_20 = arith.cmpi eq, %jit3A_19, %eq3A : i32
    %jit3A_21 = arith.constant 1 : i32
    %select_n3A_22 = arith.select %eq3A_20, %jit3A_21, %jit3A_19 : i32
    %rem3A_23 = arith.remsi %add3A, %select_n3A_22 : i32
    %ne3A_24 = arith.constant 0 : i32
    %ne3A_25 = arith.cmpi ne, %rem3A_23, %ne3A_24 : i32
    %lt3A = arith.constant 0 : i32
    %lt3A_26 = arith.cmpi slt, %rem3A_23, %lt3A : i32
    %lt3A_27 = arith.constant 0 : i32
    %lt3A_28 = arith.cmpi slt, %select_n3A_22, %lt3A_27 : i32
    %ne3A_29 = arith.xori %lt3A_26, %lt3A_28 : i1
    %and3A_30 = arith.andi %ne3A_29, %ne3A_25 : i1
    %add3A_31 = arith.addi %rem3A_23, %select_n3A_22 : i32
    %select_n3A_32 = arith.select %and3A_30, %add3A_31, %rem3A_23 : i32
    %mul3A_33 = arith.constant 1024 : i32
    %mul3A_34 = arith.muli %select_n3A_32, %mul3A_33 : i32
    %dma_start3A = arith.constant 0 : i32
    %dma_start3A_35 = arith.constant 0 : i32
    %dma_start3A_36 = tpu.memref_slice %arg5[%dma_start3A_35] : memref<8192xf32, #tpu.memory_space<vmem>> -> memref<1024xf32, #tpu.memory_space<vmem>>
    %dma_start3A_37 = tpu.memref_slice %arg2[%dma_start3A, %mul3A_2] : memref<8x32768xf32, #tpu.memory_space<hbm>> -> memref<1x1024xf32, #tpu.memory_space<hbm>>
    %dma_start3A_38 = tpu.memref_squeeze %dma_start3A_37 : memref<1x1024xf32, #tpu.memory_space<hbm>> -> memref<1024xf32, #tpu.memory_space<hbm>>
    %dma_start3A_39 = arith.constant 0 : i32
    %dma_start3A_40 = tpu.memref_slice %arg5[%dma_start3A_39] : memref<8192xf32, #tpu.memory_space<vmem>> -> memref<1024xf32, #tpu.memory_space<vmem>>
    %dma_start3A_41 = tpu.memref_slice %arg2[%dma_start3A, %mul3A_2] : memref<8x32768xf32, #tpu.memory_space<hbm>> -> memref<1x1024xf32, #tpu.memory_space<hbm>>
    %dma_start3A_42 = tpu.memref_squeeze %dma_start3A_41 : memref<1x1024xf32, #tpu.memory_space<hbm>> -> memref<1024xf32, #tpu.memory_space<hbm>>
    tpu.enqueue_dma source(%dma_start3A_42 : memref<1024xf32, #tpu.memory_space<hbm>>) target(%dma_start3A_40 : memref<1024xf32, #tpu.memory_space<vmem>>) target_semaphore(%arg9 : memref<!tpu.dma_semaphore, #tpu.memory_space<semaphore_mem>>)
    %dma_start3A_43 = arith.constant 1 : i32
    %dma_start3A_44 = arith.constant 1024 : i32
    %dma_start3A_45 = tpu.memref_slice %arg5[%dma_start3A_44] : memref<8192xf32, #tpu.memory_space<vmem>> -> memref<1024xf32, #tpu.memory_space<vmem>>
    %dma_start3A_46 = tpu.memref_slice %arg2[%dma_start3A_43, %mul3A_2] : memref<8x32768xf32, #tpu.memory_space<hbm>> -> memref<1x1024xf32, #tpu.memory_space<hbm>>
    %dma_start3A_47 = tpu.memref_squeeze %dma_start3A_46 : memref<1x1024xf32, #tpu.memory_space<hbm>> -> memref<1024xf32, #tpu.memory_space<hbm>>
    %dma_start3A_48 = arith.constant 1024 : i32
    %dma_start3A_49 = tpu.memref_slice %arg5[%dma_start3A_48] : memref<8192xf32, #tpu.memory_space<vmem>> -> memref<1024xf32, #tpu.memory_space<vmem>>
    %dma_start3A_50 = tpu.memref_slice %arg2[%dma_start3A_43, %mul3A_2] : memref<8x32768xf32, #tpu.memory_space<hbm>> -> memref<1x1024xf32, #tpu.memory_space<hbm>>
    %dma_start3A_51 = tpu.memref_squeeze %dma_start3A_50 : memref<1x1024xf32, #tpu.memory_space<hbm>> -> memref<1024xf32, #tpu.memory_space<hbm>>
    tpu.enqueue_dma source(%dma_start3A_51 : memref<1024xf32, #tpu.memory_space<hbm>>) target(%dma_start3A_49 : memref<1024xf32, #tpu.memory_space<vmem>>) target_semaphore(%arg9 : memref<!tpu.dma_semaphore, #tpu.memory_space<semaphore_mem>>)
    %dma_start3A_52 = arith.constant 2 : i32
    %dma_start3A_53 = arith.constant 2048 : i32
    %dma_start3A_54 = tpu.memref_slice %arg5[%dma_start3A_53] : memref<8192xf32, #tpu.memory_space<vmem>> -> memref<1024xf32, #tpu.memory_space<vmem>>
    %dma_start3A_55 = tpu.memref_slice %arg2[%dma_start3A_52, %mul3A_2] : memref<8x32768xf32, #tpu.memory_space<hbm>> -> memref<1x1024xf32, #tpu.memory_space<hbm>>
    %dma_start3A_56 = tpu.memref_squeeze %dma_start3A_55 : memref<1x1024xf32, #tpu.memory_space<hbm>> -> memref<1024xf32, #tpu.memory_space<hbm>>
    %dma_start3A_57 = arith.constant 2048 : i32
    %dma_start3A_58 = tpu.memref_slice %arg5[%dma_start3A_57] : memref<8192xf32, #tpu.memory_space<vmem>> -> memref<1024xf32, #tpu.memory_space<vmem>>
    %dma_start3A_59 = tpu.memref_slice %arg2[%dma_start3A_52, %mul3A_2] : memref<8x32768xf32, #tpu.memory_space<hbm>> -> memref<1x1024xf32, #tpu.memory_space<hbm>>
    %dma_start3A_60 = tpu.memref_squeeze %dma_start3A_59 : memref<1x1024xf32, #tpu.memory_space<hbm>> -> memref<1024xf32, #tpu.memory_space<hbm>>
    tpu.enqueue_dma source(%dma_start3A_60 : memref<1024xf32, #tpu.memory_space<hbm>>) target(%dma_start3A_58 : memref<1024xf32, #tpu.memory_space<vmem>>) target_semaphore(%arg9 : memref<!tpu.dma_semaphore, #tpu.memory_space<semaphore_mem>>)
    %dma_start3A_61 = arith.constant 3 : i32
    %dma_start3A_62 = arith.constant 3072 : i32
    %dma_start3A_63 = tpu.memref_slice %arg5[%dma_start3A_62] : memref<8192xf32, #tpu.memory_space<vmem>> -> memref<1024xf32, #tpu.memory_space<vmem>>
    %dma_start3A_64 = tpu.memref_slice %arg2[%dma_start3A_61, %mul3A_2] : memref<8x32768xf32, #tpu.memory_space<hbm>> -> memref<1x1024xf32, #tpu.memory_space<hbm>>
    %dma_start3A_65 = tpu.memref_squeeze %dma_start3A_64 : memref<1x1024xf32, #tpu.memory_space<hbm>> -> memref<1024xf32, #tpu.memory_space<hbm>>
    %dma_start3A_66 = arith.constant 3072 : i32
    %dma_start3A_67 = tpu.memref_slice %arg5[%dma_start3A_66] : memref<8192xf32, #tpu.memory_space<vmem>> -> memref<1024xf32, #tpu.memory_space<vmem>>
    %dma_start3A_68 = tpu.memref_slice %arg2[%dma_start3A_61, %mul3A_2] : memref<8x32768xf32, #tpu.memory_space<hbm>> -> memref<1x1024xf32, #tpu.memory_space<hbm>>
    %dma_start3A_69 = tpu.memref_squeeze %dma_start3A_68 : memref<1x1024xf32, #tpu.memory_space<hbm>> -> memref<1024xf32, #tpu.memory_space<hbm>>
    tpu.enqueue_dma source(%dma_start3A_69 : memref<1024xf32, #tpu.memory_space<hbm>>) target(%dma_start3A_67 : memref<1024xf32, #tpu.memory_space<vmem>>) target_semaphore(%arg9 : memref<!tpu.dma_semaphore, #tpu.memory_space<semaphore_mem>>)
    %dma_start3A_70 = arith.constant 4 : i32
    %dma_start3A_71 = arith.constant 4096 : i32
    %dma_start3A_72 = tpu.memref_slice %arg5[%dma_start3A_71] : memref<8192xf32, #tpu.memory_space<vmem>> -> memref<1024xf32, #tpu.memory_space<vmem>>
    %dma_start3A_73 = tpu.memref_slice %arg2[%dma_start3A_70, %mul3A_2] : memref<8x32768xf32, #tpu.memory_space<hbm>> -> memref<1x1024xf32, #tpu.memory_space<hbm>>
    %dma_start3A_74 = tpu.memref_squeeze %dma_start3A_73 : memref<1x1024xf32, #tpu.memory_space<hbm>> -> memref<1024xf32, #tpu.memory_space<hbm>>
    %dma_start3A_75 = arith.constant 4096 : i32
    %dma_start3A_76 = tpu.memref_slice %arg5[%dma_start3A_75] : memref<8192xf32, #tpu.memory_space<vmem>> -> memref<1024xf32, #tpu.memory_space<vmem>>
    %dma_start3A_77 = tpu.memref_slice %arg2[%dma_start3A_70, %mul3A_2] : memref<8x32768xf32, #tpu.memory_space<hbm>> -> memref<1x1024xf32, #tpu.memory_space<hbm>>
    %dma_start3A_78 = tpu.memref_squeeze %dma_start3A_77 : memref<1x1024xf32, #tpu.memory_space<hbm>> -> memref<1024xf32, #tpu.memory_space<hbm>>
    tpu.enqueue_dma source(%dma_start3A_78 : memref<1024xf32, #tpu.memory_space<hbm>>) target(%dma_start3A_76 : memref<1024xf32, #tpu.memory_space<vmem>>) target_semaphore(%arg9 : memref<!tpu.dma_semaphore, #tpu.memory_space<semaphore_mem>>)
    %dma_start3A_79 = arith.constant 5 : i32
    %dma_start3A_80 = arith.constant 5120 : i32
    %dma_start3A_81 = tpu.memref_slice %arg5[%dma_start3A_80] : memref<8192xf32, #tpu.memory_space<vmem>> -> memref<1024xf32, #tpu.memory_space<vmem>>
    %dma_start3A_82 = tpu.memref_slice %arg2[%dma_start3A_79, %mul3A_2] : memref<8x32768xf32, #tpu.memory_space<hbm>> -> memref<1x1024xf32, #tpu.memory_space<hbm>>
    %dma_start3A_83 = tpu.memref_squeeze %dma_start3A_82 : memref<1x1024xf32, #tpu.memory_space<hbm>> -> memref<1024xf32, #tpu.memory_space<hbm>>
    %dma_start3A_84 = arith.constant 5120 : i32
    %dma_start3A_85 = tpu.memref_slice %arg5[%dma_start3A_84] : memref<8192xf32, #tpu.memory_space<vmem>> -> memref<1024xf32, #tpu.memory_space<vmem>>
    %dma_start3A_86 = tpu.memref_slice %arg2[%dma_start3A_79, %mul3A_2] : memref<8x32768xf32, #tpu.memory_space<hbm>> -> memref<1x1024xf32, #tpu.memory_space<hbm>>
    %dma_start3A_87 = tpu.memref_squeeze %dma_start3A_86 : memref<1x1024xf32, #tpu.memory_space<hbm>> -> memref<1024xf32, #tpu.memory_space<hbm>>
    tpu.enqueue_dma source(%dma_start3A_87 : memref<1024xf32, #tpu.memory_space<hbm>>) target(%dma_start3A_85 : memref<1024xf32, #tpu.memory_space<vmem>>) target_semaphore(%arg9 : memref<!tpu.dma_semaphore, #tpu.memory_space<semaphore_mem>>)
    %dma_start3A_88 = arith.constant 6 : i32
    %dma_start3A_89 = arith.constant 6144 : i32
    %dma_start3A_90 = tpu.memref_slice %arg5[%dma_start3A_89] : memref<8192xf32, #tpu.memory_space<vmem>> -> memref<1024xf32, #tpu.memory_space<vmem>>
    %dma_start3A_91 = tpu.memref_slice %arg2[%dma_start3A_88, %mul3A_2] : memref<8x32768xf32, #tpu.memory_space<hbm>> -> memref<1x1024xf32, #tpu.memory_space<hbm>>
    %dma_start3A_92 = tpu.memref_squeeze %dma_start3A_91 : memref<1x1024xf32, #tpu.memory_space<hbm>> -> memref<1024xf32, #tpu.memory_space<hbm>>
    %dma_start3A_93 = arith.constant 6144 : i32
    %dma_start3A_94 = tpu.memref_slice %arg5[%dma_start3A_93] : memref<8192xf32, #tpu.memory_space<vmem>> -> memref<1024xf32, #tpu.memory_space<vmem>>
    %dma_start3A_95 = tpu.memref_slice %arg2[%dma_start3A_88, %mul3A_2] : memref<8x32768xf32, #tpu.memory_space<hbm>> -> memref<1x1024xf32, #tpu.memory_space<hbm>>
    %dma_start3A_96 = tpu.memref_squeeze %dma_start3A_95 : memref<1x1024xf32, #tpu.memory_space<hbm>> -> memref<1024xf32, #tpu.memory_space<hbm>>
    tpu.enqueue_dma source(%dma_start3A_96 : memref<1024xf32, #tpu.memory_space<hbm>>) target(%dma_start3A_94 : memref<1024xf32, #tpu.memory_space<vmem>>) target_semaphore(%arg9 : memref<!tpu.dma_semaphore, #tpu.memory_space<semaphore_mem>>)
    %dma_start3A_97 = arith.constant 7 : i32
    %dma_start3A_98 = arith.constant 7168 : i32
    %dma_start3A_99 = tpu.memref_slice %arg5[%dma_start3A_98] : memref<8192xf32, #tpu.memory_space<vmem>> -> memref<1024xf32, #tpu.memory_space<vmem>>
    %dma_start3A_100 = tpu.memref_slice %arg2[%dma_start3A_97, %mul3A_2] : memref<8x32768xf32, #tpu.memory_space<hbm>> -> memref<1x1024xf32, #tpu.memory_space<hbm>>
    %dma_start3A_101 = tpu.memref_squeeze %dma_start3A_100 : memref<1x1024xf32, #tpu.memory_space<hbm>> -> memref<1024xf32, #tpu.memory_space<hbm>>
    %dma_start3A_102 = arith.constant 7168 : i32
    %dma_start3A_103 = tpu.memref_slice %arg5[%dma_start3A_102] : memref<8192xf32, #tpu.memory_space<vmem>> -> memref<1024xf32, #tpu.memory_space<vmem>>
    %dma_start3A_104 = tpu.memref_slice %arg2[%dma_start3A_97, %mul3A_2] : memref<8x32768xf32, #tpu.memory_space<hbm>> -> memref<1x1024xf32, #tpu.memory_space<hbm>>
    %dma_start3A_105 = tpu.memref_squeeze %dma_start3A_104 : memref<1x1024xf32, #tpu.memory_space<hbm>> -> memref<1024xf32, #tpu.memory_space<hbm>>
    tpu.enqueue_dma source(%dma_start3A_105 : memref<1024xf32, #tpu.memory_space<hbm>>) target(%dma_start3A_103 : memref<1024xf32, #tpu.memory_space<vmem>>) target_semaphore(%arg9 : memref<!tpu.dma_semaphore, #tpu.memory_space<semaphore_mem>>)
    %dma_wait3A = arith.constant 0 : i32
    %dma_wait3A_106 = arith.constant 0 : i32
    %dma_wait3A_107 = tpu.memref_slice %arg5[%dma_wait3A_106] : memref<8192xf32, #tpu.memory_space<vmem>> -> memref<1024xf32, #tpu.memory_space<vmem>>
    %dma_wait3A_108 = tpu.memref_slice %arg2[%dma_wait3A, %mul3A_2] : memref<8x32768xf32, #tpu.memory_space<hbm>> -> memref<1x1024xf32, #tpu.memory_space<hbm>>
    %dma_wait3A_109 = tpu.memref_squeeze %dma_wait3A_108 : memref<1x1024xf32, #tpu.memory_space<hbm>> -> memref<1024xf32, #tpu.memory_space<hbm>>
    %dma_wait3A_110 = arith.constant 0 : i32
    %dma_wait3A_111 = tpu.memref_slice %arg5[%dma_wait3A_110] : memref<8192xf32, #tpu.memory_space<vmem>> -> memref<1024xf32, #tpu.memory_space<vmem>>
    %dma_wait3A_112 = tpu.memref_slice %arg2[%dma_wait3A, %mul3A_2] : memref<8x32768xf32, #tpu.memory_space<hbm>> -> memref<1x1024xf32, #tpu.memory_space<hbm>>
    %dma_wait3A_113 = tpu.memref_squeeze %dma_wait3A_112 : memref<1x1024xf32, #tpu.memory_space<hbm>> -> memref<1024xf32, #tpu.memory_space<hbm>>
    tpu.wait_dma2 semaphore(%arg9 : memref<!tpu.dma_semaphore, #tpu.memory_space<semaphore_mem>>) src(%dma_wait3A_113 : memref<1024xf32, #tpu.memory_space<hbm>>) dst(%dma_wait3A_111 : memref<1024xf32, #tpu.memory_space<vmem>>)
    %dma_wait3A_114 = arith.constant 1 : i32
    %dma_wait3A_115 = arith.constant 1024 : i32
    %dma_wait3A_116 = tpu.memref_slice %arg5[%dma_wait3A_115] : memref<8192xf32, #tpu.memory_space<vmem>> -> memref<1024xf32, #tpu.memory_space<vmem>>
    %dma_wait3A_117 = tpu.memref_slice %arg2[%dma_wait3A_114, %mul3A_2] : memref<8x32768xf32, #tpu.memory_space<hbm>> -> memref<1x1024xf32, #tpu.memory_space<hbm>>
    %dma_wait3A_118 = tpu.memref_squeeze %dma_wait3A_117 : memref<1x1024xf32, #tpu.memory_space<hbm>> -> memref<1024xf32, #tpu.memory_space<hbm>>
    %dma_wait3A_119 = arith.constant 1024 : i32
    %dma_wait3A_120 = tpu.memref_slice %arg5[%dma_wait3A_119] : memref<8192xf32, #tpu.memory_space<vmem>> -> memref<1024xf32, #tpu.memory_space<vmem>>
    %dma_wait3A_121 = tpu.memref_slice %arg2[%dma_wait3A_114, %mul3A_2] : memref<8x32768xf32, #tpu.memory_space<hbm>> -> memref<1x1024xf32, #tpu.memory_space<hbm>>
    %dma_wait3A_122 = tpu.memref_squeeze %dma_wait3A_121 : memref<1x1024xf32, #tpu.memory_space<hbm>> -> memref<1024xf32, #tpu.memory_space<hbm>>
    tpu.wait_dma2 semaphore(%arg9 : memref<!tpu.dma_semaphore, #tpu.memory_space<semaphore_mem>>) src(%dma_wait3A_122 : memref<1024xf32, #tpu.memory_space<hbm>>) dst(%dma_wait3A_120 : memref<1024xf32, #tpu.memory_space<vmem>>)
    %dma_wait3A_123 = arith.constant 2 : i32
    %dma_wait3A_124 = arith.constant 2048 : i32
    %dma_wait3A_125 = tpu.memref_slice %arg5[%dma_wait3A_124] : memref<8192xf32, #tpu.memory_space<vmem>> -> memref<1024xf32, #tpu.memory_space<vmem>>
    %dma_wait3A_126 = tpu.memref_slice %arg2[%dma_wait3A_123, %mul3A_2] : memref<8x32768xf32, #tpu.memory_space<hbm>> -> memref<1x1024xf32, #tpu.memory_space<hbm>>
    %dma_wait3A_127 = tpu.memref_squeeze %dma_wait3A_126 : memref<1x1024xf32, #tpu.memory_space<hbm>> -> memref<1024xf32, #tpu.memory_space<hbm>>
    %dma_wait3A_128 = arith.constant 2048 : i32
    %dma_wait3A_129 = tpu.memref_slice %arg5[%dma_wait3A_128] : memref<8192xf32, #tpu.memory_space<vmem>> -> memref<1024xf32, #tpu.memory_space<vmem>>
    %dma_wait3A_130 = tpu.memref_slice %arg2[%dma_wait3A_123, %mul3A_2] : memref<8x32768xf32, #tpu.memory_space<hbm>> -> memref<1x1024xf32, #tpu.memory_space<hbm>>
    %dma_wait3A_131 = tpu.memref_squeeze %dma_wait3A_130 : memref<1x1024xf32, #tpu.memory_space<hbm>> -> memref<1024xf32, #tpu.memory_space<hbm>>
    tpu.wait_dma2 semaphore(%arg9 : memref<!tpu.dma_semaphore, #tpu.memory_space<semaphore_mem>>) src(%dma_wait3A_131 : memref<1024xf32, #tpu.memory_space<hbm>>) dst(%dma_wait3A_129 : memref<1024xf32, #tpu.memory_space<vmem>>)
    %dma_wait3A_132 = arith.constant 3 : i32
    %dma_wait3A_133 = arith.constant 3072 : i32
    %dma_wait3A_134 = tpu.memref_slice %arg5[%dma_wait3A_133] : memref<8192xf32, #tpu.memory_space<vmem>> -> memref<1024xf32, #tpu.memory_space<vmem>>
    %dma_wait3A_135 = tpu.memref_slice %arg2[%dma_wait3A_132, %mul3A_2] : memref<8x32768xf32, #tpu.memory_space<hbm>> -> memref<1x1024xf32, #tpu.memory_space<hbm>>
    %dma_wait3A_136 = tpu.memref_squeeze %dma_wait3A_135 : memref<1x1024xf32, #tpu.memory_space<hbm>> -> memref<1024xf32, #tpu.memory_space<hbm>>
    %dma_wait3A_137 = arith.constant 3072 : i32
    %dma_wait3A_138 = tpu.memref_slice %arg5[%dma_wait3A_137] : memref<8192xf32, #tpu.memory_space<vmem>> -> memref<1024xf32, #tpu.memory_space<vmem>>
    %dma_wait3A_139 = tpu.memref_slice %arg2[%dma_wait3A_132, %mul3A_2] : memref<8x32768xf32, #tpu.memory_space<hbm>> -> memref<1x1024xf32, #tpu.memory_space<hbm>>
    %dma_wait3A_140 = tpu.memref_squeeze %dma_wait3A_139 : memref<1x1024xf32, #tpu.memory_space<hbm>> -> memref<1024xf32, #tpu.memory_space<hbm>>
    tpu.wait_dma2 semaphore(%arg9 : memref<!tpu.dma_semaphore, #tpu.memory_space<semaphore_mem>>) src(%dma_wait3A_140 : memref<1024xf32, #tpu.memory_space<hbm>>) dst(%dma_wait3A_138 : memref<1024xf32, #tpu.memory_space<vmem>>)
    %dma_wait3A_141 = arith.constant 4 : i32
    %dma_wait3A_142 = arith.constant 4096 : i32
    %dma_wait3A_143 = tpu.memref_slice %arg5[%dma_wait3A_142] : memref<8192xf32, #tpu.memory_space<vmem>> -> memref<1024xf32, #tpu.memory_space<vmem>>
    %dma_wait3A_144 = tpu.memref_slice %arg2[%dma_wait3A_141, %mul3A_2] : memref<8x32768xf32, #tpu.memory_space<hbm>> -> memref<1x1024xf32, #tpu.memory_space<hbm>>
    %dma_wait3A_145 = tpu.memref_squeeze %dma_wait3A_144 : memref<1x1024xf32, #tpu.memory_space<hbm>> -> memref<1024xf32, #tpu.memory_space<hbm>>
    %dma_wait3A_146 = arith.constant 4096 : i32
    %dma_wait3A_147 = tpu.memref_slice %arg5[%dma_wait3A_146] : memref<8192xf32, #tpu.memory_space<vmem>> -> memref<1024xf32, #tpu.memory_space<vmem>>
    %dma_wait3A_148 = tpu.memref_slice %arg2[%dma_wait3A_141, %mul3A_2] : memref<8x32768xf32, #tpu.memory_space<hbm>> -> memref<1x1024xf32, #tpu.memory_space<hbm>>
    %dma_wait3A_149 = tpu.memref_squeeze %dma_wait3A_148 : memref<1x1024xf32, #tpu.memory_space<hbm>> -> memref<1024xf32, #tpu.memory_space<hbm>>
    tpu.wait_dma2 semaphore(%arg9 : memref<!tpu.dma_semaphore, #tpu.memory_space<semaphore_mem>>) src(%dma_wait3A_149 : memref<1024xf32, #tpu.memory_space<hbm>>) dst(%dma_wait3A_147 : memref<1024xf32, #tpu.memory_space<vmem>>)
    %dma_wait3A_150 = arith.constant 5 : i32
    %dma_wait3A_151 = arith.constant 5120 : i32
    %dma_wait3A_152 = tpu.memref_slice %arg5[%dma_wait3A_151] : memref<8192xf32, #tpu.memory_space<vmem>> -> memref<1024xf32, #tpu.memory_space<vmem>>
    %dma_wait3A_153 = tpu.memref_slice %arg2[%dma_wait3A_150, %mul3A_2] : memref<8x32768xf32, #tpu.memory_space<hbm>> -> memref<1x1024xf32, #tpu.memory_space<hbm>>
    %dma_wait3A_154 = tpu.memref_squeeze %dma_wait3A_153 : memref<1x1024xf32, #tpu.memory_space<hbm>> -> memref<1024xf32, #tpu.memory_space<hbm>>
    %dma_wait3A_155 = arith.constant 5120 : i32
    %dma_wait3A_156 = tpu.memref_slice %arg5[%dma_wait3A_155] : memref<8192xf32, #tpu.memory_space<vmem>> -> memref<1024xf32, #tpu.memory_space<vmem>>
    %dma_wait3A_157 = tpu.memref_slice %arg2[%dma_wait3A_150, %mul3A_2] : memref<8x32768xf32, #tpu.memory_space<hbm>> -> memref<1x1024xf32, #tpu.memory_space<hbm>>
    %dma_wait3A_158 = tpu.memref_squeeze %dma_wait3A_157 : memref<1x1024xf32, #tpu.memory_space<hbm>> -> memref<1024xf32, #tpu.memory_space<hbm>>
    tpu.wait_dma2 semaphore(%arg9 : memref<!tpu.dma_semaphore, #tpu.memory_space<semaphore_mem>>) src(%dma_wait3A_158 : memref<1024xf32, #tpu.memory_space<hbm>>) dst(%dma_wait3A_156 : memref<1024xf32, #tpu.memory_space<vmem>>)
    %dma_wait3A_159 = arith.constant 6 : i32
    %dma_wait3A_160 = arith.constant 6144 : i32
    %dma_wait3A_161 = tpu.memref_slice %arg5[%dma_wait3A_160] : memref<8192xf32, #tpu.memory_space<vmem>> -> memref<1024xf32, #tpu.memory_space<vmem>>
    %dma_wait3A_162 = tpu.memref_slice %arg2[%dma_wait3A_159, %mul3A_2] : memref<8x32768xf32, #tpu.memory_space<hbm>> -> memref<1x1024xf32, #tpu.memory_space<hbm>>
    %dma_wait3A_163 = tpu.memref_squeeze %dma_wait3A_162 : memref<1x1024xf32, #tpu.memory_space<hbm>> -> memref<1024xf32, #tpu.memory_space<hbm>>
    %dma_wait3A_164 = arith.constant 6144 : i32
    %dma_wait3A_165 = tpu.memref_slice %arg5[%dma_wait3A_164] : memref<8192xf32, #tpu.memory_space<vmem>> -> memref<1024xf32, #tpu.memory_space<vmem>>
    %dma_wait3A_166 = tpu.memref_slice %arg2[%dma_wait3A_159, %mul3A_2] : memref<8x32768xf32, #tpu.memory_space<hbm>> -> memref<1x1024xf32, #tpu.memory_space<hbm>>
    %dma_wait3A_167 = tpu.memref_squeeze %dma_wait3A_166 : memref<1x1024xf32, #tpu.memory_space<hbm>> -> memref<1024xf32, #tpu.memory_space<hbm>>
    tpu.wait_dma2 semaphore(%arg9 : memref<!tpu.dma_semaphore, #tpu.memory_space<semaphore_mem>>) src(%dma_wait3A_167 : memref<1024xf32, #tpu.memory_space<hbm>>) dst(%dma_wait3A_165 : memref<1024xf32, #tpu.memory_space<vmem>>)
    %dma_wait3A_168 = arith.constant 7 : i32
    %dma_wait3A_169 = arith.constant 7168 : i32
    %dma_wait3A_170 = tpu.memref_slice %arg5[%dma_wait3A_169] : memref<8192xf32, #tpu.memory_space<vmem>> -> memref<1024xf32, #tpu.memory_space<vmem>>
    %dma_wait3A_171 = tpu.memref_slice %arg2[%dma_wait3A_168, %mul3A_2] : memref<8x32768xf32, #tpu.memory_space<hbm>> -> memref<1x1024xf32, #tpu.memory_space<hbm>>
    %dma_wait3A_172 = tpu.memref_squeeze %dma_wait3A_171 : memref<1x1024xf32, #tpu.memory_space<hbm>> -> memref<1024xf32, #tpu.memory_space<hbm>>
    %dma_wait3A_173 = arith.constant 7168 : i32
    %dma_wait3A_174 = tpu.memref_slice %arg5[%dma_wait3A_173] : memref<8192xf32, #tpu.memory_space<vmem>> -> memref<1024xf32, #tpu.memory_space<vmem>>
    %dma_wait3A_175 = tpu.memref_slice %arg2[%dma_wait3A_168, %mul3A_2] : memref<8x32768xf32, #tpu.memory_space<hbm>> -> memref<1x1024xf32, #tpu.memory_space<hbm>>
    %dma_wait3A_176 = tpu.memref_squeeze %dma_wait3A_175 : memref<1x1024xf32, #tpu.memory_space<hbm>> -> memref<1024xf32, #tpu.memory_space<hbm>>
    tpu.wait_dma2 semaphore(%arg9 : memref<!tpu.dma_semaphore, #tpu.memory_space<semaphore_mem>>) src(%dma_wait3A_176 : memref<1024xf32, #tpu.memory_space<hbm>>) dst(%dma_wait3A_174 : memref<1024xf32, #tpu.memory_space<vmem>>)
    %scan3A = arith.constant 0 : i32
    %scan3A_177 = arith.constant 0 : i32
    %scan3A_178 = arith.constant 64 : i32
    %scan3A_179 = arith.addi %scan3A_177, %scan3A_178 : i32
    %scan3A_180 = arith.constant 1 : i32
    scf.for %scan3A_346 = %scan3A_177 to %scan3A_179 step %scan3A_180  : i32 {
      %mul3A_347 = arith.constant 16 : i32
      %mul3A_348 = arith.muli %scan3A_346, %mul3A_347 : i32
      %get3A = arith.index_cast %mul3A_348 : i32 to index
      %get3A_349 = tpu.vector_load %arg5[%get3A] {strides = array<i32>} : memref<8192xf32, #tpu.memory_space<vmem>>, vector<16xf32>,
      %broadcast_in_dim3A = arith.constant 0 : i32
      %broadcast_in_dim3A_350 = vector.broadcast %broadcast_in_dim3A : i32 to vector<16xi32>
      %broadcast_in_dim3A_351 = arith.constant 0xFF800000 : f32
      %broadcast_in_dim3A_352 = vector.broadcast %broadcast_in_dim3A_351 : f32 to vector<16xf32>
      %broadcast_in_dim3A_353 = arith.constant 0 : i32
      %broadcast_in_dim3A_354 = vector.broadcast %broadcast_in_dim3A_353 : i32 to vector<16xi32>
      %add3A_355 = arith.constant 1024 : i32
      %add3A_356 = arith.addi %add3A_355, %mul3A_348 : i32
      %get3A_357 = arith.index_cast %add3A_356 : i32 to index
      %get3A_358 = tpu.vector_load %arg5[%get3A_357] {strides = array<i32>} : memref<8192xf32, #tpu.memory_space<vmem>>, vector<16xf32>,
      %gt3A = arith.cmpf ogt, %get3A_358, %get3A_349 : vector<16xf32>
      %gt3A_359 = arith.cmpf ogt, %get3A_358, %broadcast_in_dim3A_352 : vector<16xf32>
      %select_n3A_360 = arith.select %gt3A_359, %get3A_358, %broadcast_in_dim3A_352 : vector<16xi1>, vector<16xf32>
      %select_n3A_361 = arith.select %gt3A, %get3A_349, %select_n3A_360 : vector<16xi1>, vector<16xf32>
      %jit3A_362 = arith.constant 1 : i32
      %broadcast_in_dim3A_363 = vector.broadcast %jit3A_362 : i32 to vector<16xi32>
      %select_n3A_364 = arith.select %gt3A_359, %broadcast_in_dim3A_363, %broadcast_in_dim3A_354 : vector<16xi1>, vector<16xi32>
      %select_n3A_365 = arith.select %gt3A, %broadcast_in_dim3A_350, %select_n3A_364 : vector<16xi1>, vector<16xi32>
      %select_n3A_366 = arith.select %gt3A, %get3A_358, %get3A_349 : vector<16xi1>, vector<16xf32>
      %jit3A_367 = arith.constant 1 : i32
      %broadcast_in_dim3A_368 = vector.broadcast %jit3A_367 : i32 to vector<16xi32>
      %select_n3A_369 = arith.select %gt3A, %broadcast_in_dim3A_368, %broadcast_in_dim3A_350 : vector<16xi1>, vector<16xi32>
      %add3A_370 = arith.constant 2048 : i32
      %add3A_371 = arith.addi %add3A_370, %mul3A_348 : i32
      %get3A_372 = arith.index_cast %add3A_371 : i32 to index
      %get3A_373 = tpu.vector_load %arg5[%get3A_372] {strides = array<i32>} : memref<8192xf32, #tpu.memory_space<vmem>>, vector<16xf32>,
      %gt3A_374 = arith.cmpf ogt, %get3A_373, %select_n3A_366 : vector<16xf32>
      %gt3A_375 = arith.cmpf ogt, %get3A_373, %select_n3A_361 : vector<16xf32>
      %select_n3A_376 = arith.select %gt3A_375, %get3A_373, %select_n3A_361 : vector<16xi1>, vector<16xf32>
      %select_n3A_377 = arith.select %gt3A_374, %select_n3A_366, %select_n3A_376 : vector<16xi1>, vector<16xf32>
      %jit3A_378 = arith.constant 2 : i32
      %broadcast_in_dim3A_379 = vector.broadcast %jit3A_378 : i32 to vector<16xi32>
      %select_n3A_380 = arith.select %gt3A_375, %broadcast_in_dim3A_379, %select_n3A_365 : vector<16xi1>, vector<16xi32>
      %select_n3A_381 = arith.select %gt3A_374, %select_n3A_369, %select_n3A_380 : vector<16xi1>, vector<16xi32>
      %select_n3A_382 = arith.select %gt3A_374, %get3A_373, %select_n3A_366 : vector<16xi1>, vector<16xf32>
      %jit3A_383 = arith.constant 2 : i32
      %broadcast_in_dim3A_384 = vector.broadcast %jit3A_383 : i32 to vector<16xi32>
      %select_n3A_385 = arith.select %gt3A_374, %broadcast_in_dim3A_384, %select_n3A_369 : vector<16xi1>, vector<16xi32>
      %add3A_386 = arith.constant 3072 : i32
      %add3A_387 = arith.addi %add3A_386, %mul3A_348 : i32
      %get3A_388 = arith.index_cast %add3A_387 : i32 to index
      %get3A_389 = tpu.vector_load %arg5[%get3A_388] {strides = array<i32>} : memref<8192xf32, #tpu.memory_space<vmem>>, vector<16xf32>,
      %gt3A_390 = arith.cmpf ogt, %get3A_389, %select_n3A_382 : vector<16xf32>
      %gt3A_391 = arith.cmpf ogt, %get3A_389, %select_n3A_377 : vector<16xf32>
      %select_n3A_392 = arith.select %gt3A_391, %get3A_389, %select_n3A_377 : vector<16xi1>, vector<16xf32>
      %select_n3A_393 = arith.select %gt3A_390, %select_n3A_382, %select_n3A_392 : vector<16xi1>, vector<16xf32>
      %jit3A_394 = arith.constant 3 : i32
      %broadcast_in_dim3A_395 = vector.broadcast %jit3A_394 : i32 to vector<16xi32>
      %select_n3A_396 = arith.select %gt3A_391, %broadcast_in_dim3A_395, %select_n3A_381 : vector<16xi1>, vector<16xi32>
      %select_n3A_397 = arith.select %gt3A_390, %select_n3A_385, %select_n3A_396 : vector<16xi1>, vector<16xi32>
      %select_n3A_398 = arith.select %gt3A_390, %get3A_389, %select_n3A_382 : vector<16xi1>, vector<16xf32>
      %jit3A_399 = arith.constant 3 : i32
      %broadcast_in_dim3A_400 = vector.broadcast %jit3A_399 : i32 to vector<16xi32>
      %select_n3A_401 = arith.select %gt3A_390, %broadcast_in_dim3A_400, %select_n3A_385 : vector<16xi1>, vector<16xi32>
      %add3A_402 = arith.constant 4096 : i32
      %add3A_403 = arith.addi %add3A_402, %mul3A_348 : i32
      %get3A_404 = arith.index_cast %add3A_403 : i32 to index
      %get3A_405 = tpu.vector_load %arg5[%get3A_404] {strides = array<i32>} : memref<8192xf32, #tpu.memory_space<vmem>>, vector<16xf32>,
      %gt3A_406 = arith.cmpf ogt, %get3A_405, %select_n3A_398 : vector<16xf32>
      %gt3A_407 = arith.cmpf ogt, %get3A_405, %select_n3A_393 : vector<16xf32>
      %select_n3A_408 = arith.select %gt3A_407, %get3A_405, %select_n3A_393 : vector<16xi1>, vector<16xf32>
      %select_n3A_409 = arith.select %gt3A_406, %select_n3A_398, %select_n3A_408 : vector<16xi1>, vector<16xf32>
      %jit3A_410 = arith.constant 4 : i32
      %broadcast_in_dim3A_411 = vector.broadcast %jit3A_410 : i32 to vector<16xi32>
      %select_n3A_412 = arith.select %gt3A_407, %broadcast_in_dim3A_411, %select_n3A_397 : vector<16xi1>, vector<16xi32>
      %select_n3A_413 = arith.select %gt3A_406, %select_n3A_401, %select_n3A_412 : vector<16xi1>, vector<16xi32>
      %select_n3A_414 = arith.select %gt3A_406, %get3A_405, %select_n3A_398 : vector<16xi1>, vector<16xf32>
      %jit3A_415 = arith.constant 4 : i32
      %broadcast_in_dim3A_416 = vector.broadcast %jit3A_415 : i32 to vector<16xi32>
      %select_n3A_417 = arith.select %gt3A_406, %broadcast_in_dim3A_416, %select_n3A_401 : vector<16xi1>, vector<16xi32>
      %add3A_418 = arith.constant 5120 : i32
      %add3A_419 = arith.addi %add3A_418, %mul3A_348 : i32
      %get3A_420 = arith.index_cast %add3A_419 : i32 to index
      %get3A_421 = tpu.vector_load %arg5[%get3A_420] {strides = array<i32>} : memref<8192xf32, #tpu.memory_space<vmem>>, vector<16xf32>,
      %gt3A_422 = arith.cmpf ogt, %get3A_421, %select_n3A_414 : vector<16xf32>
      %gt3A_423 = arith.cmpf ogt, %get3A_421, %select_n3A_409 : vector<16xf32>
      %select_n3A_424 = arith.select %gt3A_423, %get3A_421, %select_n3A_409 : vector<16xi1>, vector<16xf32>
      %select_n3A_425 = arith.select %gt3A_422, %select_n3A_414, %select_n3A_424 : vector<16xi1>, vector<16xf32>
      %jit3A_426 = arith.constant 5 : i32
      %broadcast_in_dim3A_427 = vector.broadcast %jit3A_426 : i32 to vector<16xi32>
      %select_n3A_428 = arith.select %gt3A_423, %broadcast_in_dim3A_427, %select_n3A_413 : vector<16xi1>, vector<16xi32>
      %select_n3A_429 = arith.select %gt3A_422, %select_n3A_417, %select_n3A_428 : vector<16xi1>, vector<16xi32>
      %select_n3A_430 = arith.select %gt3A_422, %get3A_421, %select_n3A_414 : vector<16xi1>, vector<16xf32>
      %jit3A_431 = arith.constant 5 : i32
      %broadcast_in_dim3A_432 = vector.broadcast %jit3A_431 : i32 to vector<16xi32>
      %select_n3A_433 = arith.select %gt3A_422, %broadcast_in_dim3A_432, %select_n3A_417 : vector<16xi1>, vector<16xi32>
      %add3A_434 = arith.constant 6144 : i32
      %add3A_435 = arith.addi %add3A_434, %mul3A_348 : i32
      %get3A_436 = arith.index_cast %add3A_435 : i32 to index
      %get3A_437 = tpu.vector_load %arg5[%get3A_436] {strides = array<i32>} : memref<8192xf32, #tpu.memory_space<vmem>>, vector<16xf32>,
      %gt3A_438 = arith.cmpf ogt, %get3A_437, %select_n3A_430 : vector<16xf32>
      %gt3A_439 = arith.cmpf ogt, %get3A_437, %select_n3A_425 : vector<16xf32>
      %select_n3A_440 = arith.select %gt3A_439, %get3A_437, %select_n3A_425 : vector<16xi1>, vector<16xf32>
      %select_n3A_441 = arith.select %gt3A_438, %select_n3A_430, %select_n3A_440 : vector<16xi1>, vector<16xf32>
      %jit3A_442 = arith.constant 6 : i32
      %broadcast_in_dim3A_443 = vector.broadcast %jit3A_442 : i32 to vector<16xi32>
      %select_n3A_444 = arith.select %gt3A_439, %broadcast_in_dim3A_443, %select_n3A_429 : vector<16xi1>, vector<16xi32>
      %select_n3A_445 = arith.select %gt3A_438, %select_n3A_433, %select_n3A_444 : vector<16xi1>, vector<16xi32>
      %select_n3A_446 = arith.select %gt3A_438, %get3A_437, %select_n3A_430 : vector<16xi1>, vector<16xf32>
      %jit3A_447 = arith.constant 6 : i32
      %broadcast_in_dim3A_448 = vector.broadcast %jit3A_447 : i32 to vector<16xi32>
      %select_n3A_449 = arith.select %gt3A_438, %broadcast_in_dim3A_448, %select_n3A_433 : vector<16xi1>, vector<16xi32>
      %add3A_450 = arith.constant 7168 : i32
      %add3A_451 = arith.addi %add3A_450, %mul3A_348 : i32
      %get3A_452 = arith.index_cast %add3A_451 : i32 to index
      %get3A_453 = tpu.vector_load %arg5[%get3A_452] {strides = array<i32>} : memref<8192xf32, #tpu.memory_space<vmem>>, vector<16xf32>,
      %gt3A_454 = arith.cmpf ogt, %get3A_453, %select_n3A_446 : vector<16xf32>
      %gt3A_455 = arith.cmpf ogt, %get3A_453, %select_n3A_441 : vector<16xf32>
      %select_n3A_456 = arith.select %gt3A_455, %get3A_453, %select_n3A_441 : vector<16xi1>, vector<16xf32>
      %select_n3A_457 = arith.select %gt3A_454, %select_n3A_446, %select_n3A_456 : vector<16xi1>, vector<16xf32>
      %jit3A_458 = arith.constant 7 : i32
      %broadcast_in_dim3A_459 = vector.broadcast %jit3A_458 : i32 to vector<16xi32>
      %select_n3A_460 = arith.select %gt3A_455, %broadcast_in_dim3A_459, %select_n3A_445 : vector<16xi1>, vector<16xi32>
      %select_n3A_461 = arith.select %gt3A_454, %select_n3A_449, %select_n3A_460 : vector<16xi1>, vector<16xi32>
      %select_n3A_462 = arith.select %gt3A_454, %get3A_453, %select_n3A_446 : vector<16xi1>, vector<16xf32>
      %jit3A_463 = arith.constant 7 : i32
      %broadcast_in_dim3A_464 = vector.broadcast %jit3A_463 : i32 to vector<16xi32>
      %select_n3A_465 = arith.select %gt3A_454, %broadcast_in_dim3A_464, %select_n3A_449 : vector<16xi1>, vector<16xi32>
      %sub3A_466 = arith.subf %select_n3A_457, %select_n3A_462 : vector<16xf32>
      %exp3A = math.exp %sub3A_466 : vector<16xf32>
      %add3A_467 = arith.constant 1.000000e+00 : f32
      %add3A_468 = vector.broadcast %add3A_467 : f32 to vector<16xf32>
      %add3A_469 = arith.addf %exp3A, %add3A_468 : vector<16xf32>
      %div3A_470 = arith.constant 1.000000e+00 : f32
      %div3A_471 = vector.broadcast %div3A_470 : f32 to vector<16xf32>
      %div3A_472 = arith.divf %div3A_471, %add3A_469 : vector<16xf32>
      %div3A_473 = arith.divf %exp3A, %add3A_469 : vector<16xf32>
      %eq3A_474 = arith.constant 0 : i32
      %eq3A_475 = vector.broadcast %eq3A_474 : i32 to vector<16xi32>
      %eq3A_476 = arith.cmpi eq, %select_n3A_465, %eq3A_475 : vector<16xi32>
      %eq3A_477 = arith.constant 0 : i32
      %eq3A_478 = vector.broadcast %eq3A_477 : i32 to vector<16xi32>
      %eq3A_479 = arith.cmpi eq, %select_n3A_461, %eq3A_478 : vector<16xi32>
      %jit3A_480 = arith.constant 0.000000e+00 : f32
      %broadcast_in_dim3A_481 = vector.broadcast %jit3A_480 : f32 to vector<16xf32>
      %select_n3A_482 = arith.select %eq3A_479, %div3A_473, %broadcast_in_dim3A_481 : vector<16xi1>, vector<16xf32>
      %select_n3A_483 = arith.select %eq3A_476, %div3A_472, %select_n3A_482 : vector<16xi1>, vector<16xf32>
      %add3A_484 = arith.constant 0 : i32
      %add3A_485 = arith.addi %add3A_484, %mul3A_348 : i32
      %swap3A = arith.index_cast %add3A_485 : i32 to index
      %swap3A_486 = tpu.vector_load %arg6[%swap3A] {strides = array<i32>} : memref<8192xf32, #tpu.memory_space<vmem>>, vector<16xf32>,
      tpu.vector_store %arg6[%swap3A], %select_n3A_483 {strides = array<i32>} : memref<8192xf32, #tpu.memory_space<vmem>>, vector<16xf32>,
      %eq3A_487 = arith.constant 1 : i32
      %eq3A_488 = vector.broadcast %eq3A_487 : i32 to vector<16xi32>
      %eq3A_489 = arith.cmpi eq, %select_n3A_465, %eq3A_488 : vector<16xi32>
      %eq3A_490 = arith.constant 1 : i32
      %eq3A_491 = vector.broadcast %eq3A_490 : i32 to vector<16xi32>
      %eq3A_492 = arith.cmpi eq, %select_n3A_461, %eq3A_491 : vector<16xi32>
      %jit3A_493 = arith.constant 0.000000e+00 : f32
      %broadcast_in_dim3A_494 = vector.broadcast %jit3A_493 : f32 to vector<16xf32>
      %select_n3A_495 = arith.select %eq3A_492, %div3A_473, %broadcast_in_dim3A_494 : vector<16xi1>, vector<16xf32>
      %select_n3A_496 = arith.select %eq3A_489, %div3A_472, %select_n3A_495 : vector<16xi1>, vector<16xf32>
      %add3A_497 = arith.constant 1024 : i32
      %add3A_498 = arith.addi %add3A_497, %mul3A_348 : i32
      %swap3A_499 = arith.index_cast %add3A_498 : i32 to index
      %swap3A_500 = tpu.vector_load %arg6[%swap3A_499] {strides = array<i32>} : memref<8192xf32, #tpu.memory_space<vmem>>, vector<16xf32>,
      tpu.vector_store %arg6[%swap3A_499], %select_n3A_496 {strides = array<i32>} : memref<8192xf32, #tpu.memory_space<vmem>>, vector<16xf32>,
      %eq3A_501 = arith.constant 2 : i32
      %eq3A_502 = vector.broadcast %eq3A_501 : i32 to vector<16xi32>
      %eq3A_503 = arith.cmpi eq, %select_n3A_465, %eq3A_502 : vector<16xi32>
      %eq3A_504 = arith.constant 2 : i32
      %eq3A_505 = vector.broadcast %eq3A_504 : i32 to vector<16xi32>
      %eq3A_506 = arith.cmpi eq, %select_n3A_461, %eq3A_505 : vector<16xi32>
      %jit3A_507 = arith.constant 0.000000e+00 : f32
      %broadcast_in_dim3A_508 = vector.broadcast %jit3A_507 : f32 to vector<16xf32>
      %select_n3A_509 = arith.select %eq3A_506, %div3A_473, %broadcast_in_dim3A_508 : vector<16xi1>, vector<16xf32>
      %select_n3A_510 = arith.select %eq3A_503, %div3A_472, %select_n3A_509 : vector<16xi1>, vector<16xf32>
      %add3A_511 = arith.constant 2048 : i32
      %add3A_512 = arith.addi %add3A_511, %mul3A_348 : i32
      %swap3A_513 = arith.index_cast %add3A_512 : i32 to index
      %swap3A_514 = tpu.vector_load %arg6[%swap3A_513] {strides = array<i32>} : memref<8192xf32, #tpu.memory_space<vmem>>, vector<16xf32>,
      tpu.vector_store %arg6[%swap3A_513], %select_n3A_510 {strides = array<i32>} : memref<8192xf32, #tpu.memory_space<vmem>>, vector<16xf32>,
      %eq3A_515 = arith.constant 3 : i32
      %eq3A_516 = vector.broadcast %eq3A_515 : i32 to vector<16xi32>
      %eq3A_517 = arith.cmpi eq, %select_n3A_465, %eq3A_516 : vector<16xi32>
      %eq3A_518 = arith.constant 3 : i32
      %eq3A_519 = vector.broadcast %eq3A_518 : i32 to vector<16xi32>
      %eq3A_520 = arith.cmpi eq, %select_n3A_461, %eq3A_519 : vector<16xi32>
      %jit3A_521 = arith.constant 0.000000e+00 : f32
      %broadcast_in_dim3A_522 = vector.broadcast %jit3A_521 : f32 to vector<16xf32>
      %select_n3A_523 = arith.select %eq3A_520, %div3A_473, %broadcast_in_dim3A_522 : vector<16xi1>, vector<16xf32>
      %select_n3A_524 = arith.select %eq3A_517, %div3A_472, %select_n3A_523 : vector<16xi1>, vector<16xf32>
      %add3A_525 = arith.constant 3072 : i32
      %add3A_526 = arith.addi %add3A_525, %mul3A_348 : i32
      %swap3A_527 = arith.index_cast %add3A_526 : i32 to index
      %swap3A_528 = tpu.vector_load %arg6[%swap3A_527] {strides = array<i32>} : memref<8192xf32, #tpu.memory_space<vmem>>, vector<16xf32>,
      tpu.vector_store %arg6[%swap3A_527], %select_n3A_524 {strides = array<i32>} : memref<8192xf32, #tpu.memory_space<vmem>>, vector<16xf32>,
      %eq3A_529 = arith.constant 4 : i32
      %eq3A_530 = vector.broadcast %eq3A_529 : i32 to vector<16xi32>
      %eq3A_531 = arith.cmpi eq, %select_n3A_465, %eq3A_530 : vector<16xi32>
      %eq3A_532 = arith.constant 4 : i32
      %eq3A_533 = vector.broadcast %eq3A_532 : i32 to vector<16xi32>
      %eq3A_534 = arith.cmpi eq, %select_n3A_461, %eq3A_533 : vector<16xi32>
      %jit3A_535 = arith.constant 0.000000e+00 : f32
      %broadcast_in_dim3A_536 = vector.broadcast %jit3A_535 : f32 to vector<16xf32>
      %select_n3A_537 = arith.select %eq3A_534, %div3A_473, %broadcast_in_dim3A_536 : vector<16xi1>, vector<16xf32>
      %select_n3A_538 = arith.select %eq3A_531, %div3A_472, %select_n3A_537 : vector<16xi1>, vector<16xf32>
      %add3A_539 = arith.constant 4096 : i32
      %add3A_540 = arith.addi %add3A_539, %mul3A_348 : i32
      %swap3A_541 = arith.index_cast %add3A_540 : i32 to index
      %swap3A_542 = tpu.vector_load %arg6[%swap3A_541] {strides = array<i32>} : memref<8192xf32, #tpu.memory_space<vmem>>, vector<16xf32>,
      tpu.vector_store %arg6[%swap3A_541], %select_n3A_538 {strides = array<i32>} : memref<8192xf32, #tpu.memory_space<vmem>>, vector<16xf32>,
      %eq3A_543 = arith.constant 5 : i32
      %eq3A_544 = vector.broadcast %eq3A_543 : i32 to vector<16xi32>
      %eq3A_545 = arith.cmpi eq, %select_n3A_465, %eq3A_544 : vector<16xi32>
      %eq3A_546 = arith.constant 5 : i32
      %eq3A_547 = vector.broadcast %eq3A_546 : i32 to vector<16xi32>
      %eq3A_548 = arith.cmpi eq, %select_n3A_461, %eq3A_547 : vector<16xi32>
      %jit3A_549 = arith.constant 0.000000e+00 : f32
      %broadcast_in_dim3A_550 = vector.broadcast %jit3A_549 : f32 to vector<16xf32>
      %select_n3A_551 = arith.select %eq3A_548, %div3A_473, %broadcast_in_dim3A_550 : vector<16xi1>, vector<16xf32>
      %select_n3A_552 = arith.select %eq3A_545, %div3A_472, %select_n3A_551 : vector<16xi1>, vector<16xf32>
      %add3A_553 = arith.constant 5120 : i32
      %add3A_554 = arith.addi %add3A_553, %mul3A_348 : i32
      %swap3A_555 = arith.index_cast %add3A_554 : i32 to index
      %swap3A_556 = tpu.vector_load %arg6[%swap3A_555] {strides = array<i32>} : memref<8192xf32, #tpu.memory_space<vmem>>, vector<16xf32>,
      tpu.vector_store %arg6[%swap3A_555], %select_n3A_552 {strides = array<i32>} : memref<8192xf32, #tpu.memory_space<vmem>>, vector<16xf32>,
      %eq3A_557 = arith.constant 6 : i32
      %eq3A_558 = vector.broadcast %eq3A_557 : i32 to vector<16xi32>
      %eq3A_559 = arith.cmpi eq, %select_n3A_465, %eq3A_558 : vector<16xi32>
      %eq3A_560 = arith.constant 6 : i32
      %eq3A_561 = vector.broadcast %eq3A_560 : i32 to vector<16xi32>
      %eq3A_562 = arith.cmpi eq, %select_n3A_461, %eq3A_561 : vector<16xi32>
      %jit3A_563 = arith.constant 0.000000e+00 : f32
      %broadcast_in_dim3A_564 = vector.broadcast %jit3A_563 : f32 to vector<16xf32>
      %select_n3A_565 = arith.select %eq3A_562, %div3A_473, %broadcast_in_dim3A_564 : vector<16xi1>, vector<16xf32>
      %select_n3A_566 = arith.select %eq3A_559, %div3A_472, %select_n3A_565 : vector<16xi1>, vector<16xf32>
      %add3A_567 = arith.constant 6144 : i32
      %add3A_568 = arith.addi %add3A_567, %mul3A_348 : i32
      %swap3A_569 = arith.index_cast %add3A_568 : i32 to index
      %swap3A_570 = tpu.vector_load %arg6[%swap3A_569] {strides = array<i32>} : memref<8192xf32, #tpu.memory_space<vmem>>, vector<16xf32>,
      tpu.vector_store %arg6[%swap3A_569], %select_n3A_566 {strides = array<i32>} : memref<8192xf32, #tpu.memory_space<vmem>>, vector<16xf32>,
      %eq3A_571 = arith.constant 7 : i32
      %eq3A_572 = vector.broadcast %eq3A_571 : i32 to vector<16xi32>
      %eq3A_573 = arith.cmpi eq, %select_n3A_465, %eq3A_572 : vector<16xi32>
      %eq3A_574 = arith.constant 7 : i32
      %eq3A_575 = vector.broadcast %eq3A_574 : i32 to vector<16xi32>
      %eq3A_576 = arith.cmpi eq, %select_n3A_461, %eq3A_575 : vector<16xi32>
      %jit3A_577 = arith.constant 0.000000e+00 : f32
      %broadcast_in_dim3A_578 = vector.broadcast %jit3A_577 : f32 to vector<16xf32>
      %select_n3A_579 = arith.select %eq3A_576, %div3A_473, %broadcast_in_dim3A_578 : vector<16xi1>, vector<16xf32>
      %select_n3A_580 = arith.select %eq3A_573, %div3A_472, %select_n3A_579 : vector<16xi1>, vector<16xf32>
      %add3A_581 = arith.constant 7168 : i32
      %add3A_582 = arith.addi %add3A_581, %mul3A_348 : i32
      %swap3A_583 = arith.index_cast %add3A_582 : i32 to index
      %swap3A_584 = tpu.vector_load %arg6[%swap3A_583] {strides = array<i32>} : memref<8192xf32, #tpu.memory_space<vmem>>, vector<16xf32>,
      tpu.vector_store %arg6[%swap3A_583], %select_n3A_580 {strides = array<i32>} : memref<8192xf32, #tpu.memory_space<vmem>>, vector<16xf32>,
      %swap3A_585 = arith.index_cast %mul3A_348 : i32 to index
      %swap3A_586 = tpu.vector_load %arg7[%swap3A_585] {strides = array<i32>} : memref<1024xi32, #tpu.memory_space<vmem>>, vector<16xi32>,
      tpu.vector_store %arg7[%swap3A_585], %select_n3A_465 {strides = array<i32>} : memref<1024xi32, #tpu.memory_space<vmem>>, vector<16xi32>,
      %swap3A_587 = arith.index_cast %mul3A_348 : i32 to index
      %swap3A_588 = tpu.vector_load %arg8[%swap3A_587] {strides = array<i32>} : memref<1024xi32, #tpu.memory_space<vmem>>, vector<16xi32>,
      tpu.vector_store %arg8[%swap3A_587], %select_n3A_461 {strides = array<i32>} : memref<1024xi32, #tpu.memory_space<vmem>>, vector<16xi32>,
    }
    %scan3A_181 = arith.constant 64 : i32
    %dma_start3A_182 = arith.constant 0 : i32
    %dma_start3A_183 = arith.constant 0 : i32
    %dma_start3A_184 = tpu.memref_slice %arg6[%dma_start3A_183] : memref<8192xf32, #tpu.memory_space<vmem>> -> memref<1024xf32, #tpu.memory_space<vmem>>
    %dma_start3A_185 = tpu.memref_slice %arg3[%select_n3A, %dma_start3A_182, %mul3A_34] : memref<4x8x8192xf32, #tpu.memory_space<hbm>> -> memref<1x1x1024xf32, #tpu.memory_space<hbm>>
    %dma_start3A_186 = tpu.memref_squeeze %dma_start3A_185 : memref<1x1x1024xf32, #tpu.memory_space<hbm>> -> memref<1024xf32, #tpu.memory_space<hbm>>
    %dma_start3A_187 = tpu.memref_slice %arg3[%select_n3A, %dma_start3A_182, %mul3A_34] : memref<4x8x8192xf32, #tpu.memory_space<hbm>> -> memref<1x1x1024xf32, #tpu.memory_space<hbm>>
    %dma_start3A_188 = tpu.memref_squeeze %dma_start3A_187 : memref<1x1x1024xf32, #tpu.memory_space<hbm>> -> memref<1024xf32, #tpu.memory_space<hbm>>
    %dma_start3A_189 = arith.constant 0 : i32
    %dma_start3A_190 = tpu.memref_slice %arg6[%dma_start3A_189] : memref<8192xf32, #tpu.memory_space<vmem>> -> memref<1024xf32, #tpu.memory_space<vmem>>
    tpu.enqueue_dma source(%dma_start3A_190 : memref<1024xf32, #tpu.memory_space<vmem>>) target(%dma_start3A_188 : memref<1024xf32, #tpu.memory_space<hbm>>) target_semaphore(%arg9 : memref<!tpu.dma_semaphore, #tpu.memory_space<semaphore_mem>>)
    %dma_start3A_191 = arith.constant 1 : i32
    %dma_start3A_192 = arith.constant 1024 : i32
    %dma_start3A_193 = tpu.memref_slice %arg6[%dma_start3A_192] : memref<8192xf32, #tpu.memory_space<vmem>> -> memref<1024xf32, #tpu.memory_space<vmem>>
    %dma_start3A_194 = tpu.memref_slice %arg3[%select_n3A, %dma_start3A_191, %mul3A_34] : memref<4x8x8192xf32, #tpu.memory_space<hbm>> -> memref<1x1x1024xf32, #tpu.memory_space<hbm>>
    %dma_start3A_195 = tpu.memref_squeeze %dma_start3A_194 : memref<1x1x1024xf32, #tpu.memory_space<hbm>> -> memref<1024xf32, #tpu.memory_space<hbm>>
    %dma_start3A_196 = tpu.memref_slice %arg3[%select_n3A, %dma_start3A_191, %mul3A_34] : memref<4x8x8192xf32, #tpu.memory_space<hbm>> -> memref<1x1x1024xf32, #tpu.memory_space<hbm>>
    %dma_start3A_197 = tpu.memref_squeeze %dma_start3A_196 : memref<1x1x1024xf32, #tpu.memory_space<hbm>> -> memref<1024xf32, #tpu.memory_space<hbm>>
    %dma_start3A_198 = arith.constant 1024 : i32
    %dma_start3A_199 = tpu.memref_slice %arg6[%dma_start3A_198] : memref<8192xf32, #tpu.memory_space<vmem>> -> memref<1024xf32, #tpu.memory_space<vmem>>
    tpu.enqueue_dma source(%dma_start3A_199 : memref<1024xf32, #tpu.memory_space<vmem>>) target(%dma_start3A_197 : memref<1024xf32, #tpu.memory_space<hbm>>) target_semaphore(%arg9 : memref<!tpu.dma_semaphore, #tpu.memory_space<semaphore_mem>>)
    %dma_start3A_200 = arith.constant 2 : i32
    %dma_start3A_201 = arith.constant 2048 : i32
    %dma_start3A_202 = tpu.memref_slice %arg6[%dma_start3A_201] : memref<8192xf32, #tpu.memory_space<vmem>> -> memref<1024xf32, #tpu.memory_space<vmem>>
    %dma_start3A_203 = tpu.memref_slice %arg3[%select_n3A, %dma_start3A_200, %mul3A_34] : memref<4x8x8192xf32, #tpu.memory_space<hbm>> -> memref<1x1x1024xf32, #tpu.memory_space<hbm>>
    %dma_start3A_204 = tpu.memref_squeeze %dma_start3A_203 : memref<1x1x1024xf32, #tpu.memory_space<hbm>> -> memref<1024xf32, #tpu.memory_space<hbm>>
    %dma_start3A_205 = tpu.memref_slice %arg3[%select_n3A, %dma_start3A_200, %mul3A_34] : memref<4x8x8192xf32, #tpu.memory_space<hbm>> -> memref<1x1x1024xf32, #tpu.memory_space<hbm>>
    %dma_start3A_206 = tpu.memref_squeeze %dma_start3A_205 : memref<1x1x1024xf32, #tpu.memory_space<hbm>> -> memref<1024xf32, #tpu.memory_space<hbm>>
    %dma_start3A_207 = arith.constant 2048 : i32
    %dma_start3A_208 = tpu.memref_slice %arg6[%dma_start3A_207] : memref<8192xf32, #tpu.memory_space<vmem>> -> memref<1024xf32, #tpu.memory_space<vmem>>
    tpu.enqueue_dma source(%dma_start3A_208 : memref<1024xf32, #tpu.memory_space<vmem>>) target(%dma_start3A_206 : memref<1024xf32, #tpu.memory_space<hbm>>) target_semaphore(%arg9 : memref<!tpu.dma_semaphore, #tpu.memory_space<semaphore_mem>>)
    %dma_start3A_209 = arith.constant 3 : i32
    %dma_start3A_210 = arith.constant 3072 : i32
    %dma_start3A_211 = tpu.memref_slice %arg6[%dma_start3A_210] : memref<8192xf32, #tpu.memory_space<vmem>> -> memref<1024xf32, #tpu.memory_space<vmem>>
    %dma_start3A_212 = tpu.memref_slice %arg3[%select_n3A, %dma_start3A_209, %mul3A_34] : memref<4x8x8192xf32, #tpu.memory_space<hbm>> -> memref<1x1x1024xf32, #tpu.memory_space<hbm>>
    %dma_start3A_213 = tpu.memref_squeeze %dma_start3A_212 : memref<1x1x1024xf32, #tpu.memory_space<hbm>> -> memref<1024xf32, #tpu.memory_space<hbm>>
    %dma_start3A_214 = tpu.memref_slice %arg3[%select_n3A, %dma_start3A_209, %mul3A_34] : memref<4x8x8192xf32, #tpu.memory_space<hbm>> -> memref<1x1x1024xf32, #tpu.memory_space<hbm>>
    %dma_start3A_215 = tpu.memref_squeeze %dma_start3A_214 : memref<1x1x1024xf32, #tpu.memory_space<hbm>> -> memref<1024xf32, #tpu.memory_space<hbm>>
    %dma_start3A_216 = arith.constant 3072 : i32
    %dma_start3A_217 = tpu.memref_slice %arg6[%dma_start3A_216] : memref<8192xf32, #tpu.memory_space<vmem>> -> memref<1024xf32, #tpu.memory_space<vmem>>
    tpu.enqueue_dma source(%dma_start3A_217 : memref<1024xf32, #tpu.memory_space<vmem>>) target(%dma_start3A_215 : memref<1024xf32, #tpu.memory_space<hbm>>) target_semaphore(%arg9 : memref<!tpu.dma_semaphore, #tpu.memory_space<semaphore_mem>>)
    %dma_start3A_218 = arith.constant 4 : i32
    %dma_start3A_219 = arith.constant 4096 : i32
    %dma_start3A_220 = tpu.memref_slice %arg6[%dma_start3A_219] : memref<8192xf32, #tpu.memory_space<vmem>> -> memref<1024xf32, #tpu.memory_space<vmem>>
    %dma_start3A_221 = tpu.memref_slice %arg3[%select_n3A, %dma_start3A_218, %mul3A_34] : memref<4x8x8192xf32, #tpu.memory_space<hbm>> -> memref<1x1x1024xf32, #tpu.memory_space<hbm>>
    %dma_start3A_222 = tpu.memref_squeeze %dma_start3A_221 : memref<1x1x1024xf32, #tpu.memory_space<hbm>> -> memref<1024xf32, #tpu.memory_space<hbm>>
    %dma_start3A_223 = tpu.memref_slice %arg3[%select_n3A, %dma_start3A_218, %mul3A_34] : memref<4x8x8192xf32, #tpu.memory_space<hbm>> -> memref<1x1x1024xf32, #tpu.memory_space<hbm>>
    %dma_start3A_224 = tpu.memref_squeeze %dma_start3A_223 : memref<1x1x1024xf32, #tpu.memory_space<hbm>> -> memref<1024xf32, #tpu.memory_space<hbm>>
    %dma_start3A_225 = arith.constant 4096 : i32
    %dma_start3A_226 = tpu.memref_slice %arg6[%dma_start3A_225] : memref<8192xf32, #tpu.memory_space<vmem>> -> memref<1024xf32, #tpu.memory_space<vmem>>
    tpu.enqueue_dma source(%dma_start3A_226 : memref<1024xf32, #tpu.memory_space<vmem>>) target(%dma_start3A_224 : memref<1024xf32, #tpu.memory_space<hbm>>) target_semaphore(%arg9 : memref<!tpu.dma_semaphore, #tpu.memory_space<semaphore_mem>>)
    %dma_start3A_227 = arith.constant 5 : i32
    %dma_start3A_228 = arith.constant 5120 : i32
    %dma_start3A_229 = tpu.memref_slice %arg6[%dma_start3A_228] : memref<8192xf32, #tpu.memory_space<vmem>> -> memref<1024xf32, #tpu.memory_space<vmem>>
    %dma_start3A_230 = tpu.memref_slice %arg3[%select_n3A, %dma_start3A_227, %mul3A_34] : memref<4x8x8192xf32, #tpu.memory_space<hbm>> -> memref<1x1x1024xf32, #tpu.memory_space<hbm>>
    %dma_start3A_231 = tpu.memref_squeeze %dma_start3A_230 : memref<1x1x1024xf32, #tpu.memory_space<hbm>> -> memref<1024xf32, #tpu.memory_space<hbm>>
    %dma_start3A_232 = tpu.memref_slice %arg3[%select_n3A, %dma_start3A_227, %mul3A_34] : memref<4x8x8192xf32, #tpu.memory_space<hbm>> -> memref<1x1x1024xf32, #tpu.memory_space<hbm>>
    %dma_start3A_233 = tpu.memref_squeeze %dma_start3A_232 : memref<1x1x1024xf32, #tpu.memory_space<hbm>> -> memref<1024xf32, #tpu.memory_space<hbm>>
    %dma_start3A_234 = arith.constant 5120 : i32
    %dma_start3A_235 = tpu.memref_slice %arg6[%dma_start3A_234] : memref<8192xf32, #tpu.memory_space<vmem>> -> memref<1024xf32, #tpu.memory_space<vmem>>
    tpu.enqueue_dma source(%dma_start3A_235 : memref<1024xf32, #tpu.memory_space<vmem>>) target(%dma_start3A_233 : memref<1024xf32, #tpu.memory_space<hbm>>) target_semaphore(%arg9 : memref<!tpu.dma_semaphore, #tpu.memory_space<semaphore_mem>>)
    %dma_start3A_236 = arith.constant 6 : i32
    %dma_start3A_237 = arith.constant 6144 : i32
    %dma_start3A_238 = tpu.memref_slice %arg6[%dma_start3A_237] : memref<8192xf32, #tpu.memory_space<vmem>> -> memref<1024xf32, #tpu.memory_space<vmem>>
    %dma_start3A_239 = tpu.memref_slice %arg3[%select_n3A, %dma_start3A_236, %mul3A_34] : memref<4x8x8192xf32, #tpu.memory_space<hbm>> -> memref<1x1x1024xf32, #tpu.memory_space<hbm>>
    %dma_start3A_240 = tpu.memref_squeeze %dma_start3A_239 : memref<1x1x1024xf32, #tpu.memory_space<hbm>> -> memref<1024xf32, #tpu.memory_space<hbm>>
    %dma_start3A_241 = tpu.memref_slice %arg3[%select_n3A, %dma_start3A_236, %mul3A_34] : memref<4x8x8192xf32, #tpu.memory_space<hbm>> -> memref<1x1x1024xf32, #tpu.memory_space<hbm>>
    %dma_start3A_242 = tpu.memref_squeeze %dma_start3A_241 : memref<1x1x1024xf32, #tpu.memory_space<hbm>> -> memref<1024xf32, #tpu.memory_space<hbm>>
    %dma_start3A_243 = arith.constant 6144 : i32
    %dma_start3A_244 = tpu.memref_slice %arg6[%dma_start3A_243] : memref<8192xf32, #tpu.memory_space<vmem>> -> memref<1024xf32, #tpu.memory_space<vmem>>
    tpu.enqueue_dma source(%dma_start3A_244 : memref<1024xf32, #tpu.memory_space<vmem>>) target(%dma_start3A_242 : memref<1024xf32, #tpu.memory_space<hbm>>) target_semaphore(%arg9 : memref<!tpu.dma_semaphore, #tpu.memory_space<semaphore_mem>>)
    %dma_start3A_245 = arith.constant 7 : i32
    %dma_start3A_246 = arith.constant 7168 : i32
    %dma_start3A_247 = tpu.memref_slice %arg6[%dma_start3A_246] : memref<8192xf32, #tpu.memory_space<vmem>> -> memref<1024xf32, #tpu.memory_space<vmem>>
    %dma_start3A_248 = tpu.memref_slice %arg3[%select_n3A, %dma_start3A_245, %mul3A_34] : memref<4x8x8192xf32, #tpu.memory_space<hbm>> -> memref<1x1x1024xf32, #tpu.memory_space<hbm>>
    %dma_start3A_249 = tpu.memref_squeeze %dma_start3A_248 : memref<1x1x1024xf32, #tpu.memory_space<hbm>> -> memref<1024xf32, #tpu.memory_space<hbm>>
    %dma_start3A_250 = tpu.memref_slice %arg3[%select_n3A, %dma_start3A_245, %mul3A_34] : memref<4x8x8192xf32, #tpu.memory_space<hbm>> -> memref<1x1x1024xf32, #tpu.memory_space<hbm>>
    %dma_start3A_251 = tpu.memref_squeeze %dma_start3A_250 : memref<1x1x1024xf32, #tpu.memory_space<hbm>> -> memref<1024xf32, #tpu.memory_space<hbm>>
    %dma_start3A_252 = arith.constant 7168 : i32
    %dma_start3A_253 = tpu.memref_slice %arg6[%dma_start3A_252] : memref<8192xf32, #tpu.memory_space<vmem>> -> memref<1024xf32, #tpu.memory_space<vmem>>
    tpu.enqueue_dma source(%dma_start3A_253 : memref<1024xf32, #tpu.memory_space<vmem>>) target(%dma_start3A_251 : memref<1024xf32, #tpu.memory_space<hbm>>) target_semaphore(%arg9 : memref<!tpu.dma_semaphore, #tpu.memory_space<semaphore_mem>>)
    %dma_start3A_254 = arith.constant 0 : i32
    %dma_start3A_255 = tpu.memref_slice %arg4[%dma_start3A_254, %mul3A_2] : memref<2x32768xi32, #tpu.memory_space<hbm>> -> memref<1x1024xi32, #tpu.memory_space<hbm>>
    %dma_start3A_256 = tpu.memref_squeeze %dma_start3A_255 : memref<1x1024xi32, #tpu.memory_space<hbm>> -> memref<1024xi32, #tpu.memory_space<hbm>>
    %dma_start3A_257 = tpu.memref_slice %arg4[%dma_start3A_254, %mul3A_2] : memref<2x32768xi32, #tpu.memory_space<hbm>> -> memref<1x1024xi32, #tpu.memory_space<hbm>>
    %dma_start3A_258 = tpu.memref_squeeze %dma_start3A_257 : memref<1x1024xi32, #tpu.memory_space<hbm>> -> memref<1024xi32, #tpu.memory_space<hbm>>
    tpu.enqueue_dma source(%arg7 : memref<1024xi32, #tpu.memory_space<vmem>>) target(%dma_start3A_258 : memref<1024xi32, #tpu.memory_space<hbm>>) target_semaphore(%arg9 : memref<!tpu.dma_semaphore, #tpu.memory_space<semaphore_mem>>)
    %dma_start3A_259 = arith.constant 1 : i32
    %dma_start3A_260 = tpu.memref_slice %arg4[%dma_start3A_259, %mul3A_2] : memref<2x32768xi32, #tpu.memory_space<hbm>> -> memref<1x1024xi32, #tpu.memory_space<hbm>>
    %dma_start3A_261 = tpu.memref_squeeze %dma_start3A_260 : memref<1x1024xi32, #tpu.memory_space<hbm>> -> memref<1024xi32, #tpu.memory_space<hbm>>
    %dma_start3A_262 = tpu.memref_slice %arg4[%dma_start3A_259, %mul3A_2] : memref<2x32768xi32, #tpu.memory_space<hbm>> -> memref<1x1024xi32, #tpu.memory_space<hbm>>
    %dma_start3A_263 = tpu.memref_squeeze %dma_start3A_262 : memref<1x1024xi32, #tpu.memory_space<hbm>> -> memref<1024xi32, #tpu.memory_space<hbm>>
    tpu.enqueue_dma source(%arg8 : memref<1024xi32, #tpu.memory_space<vmem>>) target(%dma_start3A_263 : memref<1024xi32, #tpu.memory_space<hbm>>) target_semaphore(%arg9 : memref<!tpu.dma_semaphore, #tpu.memory_space<semaphore_mem>>)
    %dma_wait3A_264 = arith.constant 0 : i32
    %dma_wait3A_265 = arith.constant 0 : i32
    %dma_wait3A_266 = tpu.memref_slice %arg6[%dma_wait3A_265] : memref<8192xf32, #tpu.memory_space<vmem>> -> memref<1024xf32, #tpu.memory_space<vmem>>
    %dma_wait3A_267 = tpu.memref_slice %arg3[%select_n3A, %dma_wait3A_264, %mul3A_34] : memref<4x8x8192xf32, #tpu.memory_space<hbm>> -> memref<1x1x1024xf32, #tpu.memory_space<hbm>>
    %dma_wait3A_268 = tpu.memref_squeeze %dma_wait3A_267 : memref<1x1x1024xf32, #tpu.memory_space<hbm>> -> memref<1024xf32, #tpu.memory_space<hbm>>
    %dma_wait3A_269 = tpu.memref_slice %arg3[%select_n3A, %dma_wait3A_264, %mul3A_34] : memref<4x8x8192xf32, #tpu.memory_space<hbm>> -> memref<1x1x1024xf32, #tpu.memory_space<hbm>>
    %dma_wait3A_270 = tpu.memref_squeeze %dma_wait3A_269 : memref<1x1x1024xf32, #tpu.memory_space<hbm>> -> memref<1024xf32, #tpu.memory_space<hbm>>
    %dma_wait3A_271 = arith.constant 0 : i32
    %dma_wait3A_272 = tpu.memref_slice %arg6[%dma_wait3A_271] : memref<8192xf32, #tpu.memory_space<vmem>> -> memref<1024xf32, #tpu.memory_space<vmem>>
    tpu.wait_dma2 semaphore(%arg9 : memref<!tpu.dma_semaphore, #tpu.memory_space<semaphore_mem>>) src(%dma_wait3A_272 : memref<1024xf32, #tpu.memory_space<vmem>>) dst(%dma_wait3A_270 : memref<1024xf32, #tpu.memory_space<hbm>>)
    %dma_wait3A_273 = arith.constant 1 : i32
    %dma_wait3A_274 = arith.constant 1024 : i32
    %dma_wait3A_275 = tpu.memref_slice %arg6[%dma_wait3A_274] : memref<8192xf32, #tpu.memory_space<vmem>> -> memref<1024xf32, #tpu.memory_space<vmem>>
    %dma_wait3A_276 = tpu.memref_slice %arg3[%select_n3A, %dma_wait3A_273, %mul3A_34] : memref<4x8x8192xf32, #tpu.memory_space<hbm>> -> memref<1x1x1024xf32, #tpu.memory_space<hbm>>
    %dma_wait3A_277 = tpu.memref_squeeze %dma_wait3A_276 : memref<1x1x1024xf32, #tpu.memory_space<hbm>> -> memref<1024xf32, #tpu.memory_space<hbm>>
    %dma_wait3A_278 = tpu.memref_slice %arg3[%select_n3A, %dma_wait3A_273, %mul3A_34] : memref<4x8x8192xf32, #tpu.memory_space<hbm>> -> memref<1x1x1024xf32, #tpu.memory_space<hbm>>
    %dma_wait3A_279 = tpu.memref_squeeze %dma_wait3A_278 : memref<1x1x1024xf32, #tpu.memory_space<hbm>> -> memref<1024xf32, #tpu.memory_space<hbm>>
    %dma_wait3A_280 = arith.constant 1024 : i32
    %dma_wait3A_281 = tpu.memref_slice %arg6[%dma_wait3A_280] : memref<8192xf32, #tpu.memory_space<vmem>> -> memref<1024xf32, #tpu.memory_space<vmem>>
    tpu.wait_dma2 semaphore(%arg9 : memref<!tpu.dma_semaphore, #tpu.memory_space<semaphore_mem>>) src(%dma_wait3A_281 : memref<1024xf32, #tpu.memory_space<vmem>>) dst(%dma_wait3A_279 : memref<1024xf32, #tpu.memory_space<hbm>>)
    %dma_wait3A_282 = arith.constant 2 : i32
    %dma_wait3A_283 = arith.constant 2048 : i32
    %dma_wait3A_284 = tpu.memref_slice %arg6[%dma_wait3A_283] : memref<8192xf32, #tpu.memory_space<vmem>> -> memref<1024xf32, #tpu.memory_space<vmem>>
    %dma_wait3A_285 = tpu.memref_slice %arg3[%select_n3A, %dma_wait3A_282, %mul3A_34] : memref<4x8x8192xf32, #tpu.memory_space<hbm>> -> memref<1x1x1024xf32, #tpu.memory_space<hbm>>
    %dma_wait3A_286 = tpu.memref_squeeze %dma_wait3A_285 : memref<1x1x1024xf32, #tpu.memory_space<hbm>> -> memref<1024xf32, #tpu.memory_space<hbm>>
    %dma_wait3A_287 = tpu.memref_slice %arg3[%select_n3A, %dma_wait3A_282, %mul3A_34] : memref<4x8x8192xf32, #tpu.memory_space<hbm>> -> memref<1x1x1024xf32, #tpu.memory_space<hbm>>
    %dma_wait3A_288 = tpu.memref_squeeze %dma_wait3A_287 : memref<1x1x1024xf32, #tpu.memory_space<hbm>> -> memref<1024xf32, #tpu.memory_space<hbm>>
    %dma_wait3A_289 = arith.constant 2048 : i32
    %dma_wait3A_290 = tpu.memref_slice %arg6[%dma_wait3A_289] : memref<8192xf32, #tpu.memory_space<vmem>> -> memref<1024xf32, #tpu.memory_space<vmem>>
    tpu.wait_dma2 semaphore(%arg9 : memref<!tpu.dma_semaphore, #tpu.memory_space<semaphore_mem>>) src(%dma_wait3A_290 : memref<1024xf32, #tpu.memory_space<vmem>>) dst(%dma_wait3A_288 : memref<1024xf32, #tpu.memory_space<hbm>>)
    %dma_wait3A_291 = arith.constant 3 : i32
    %dma_wait3A_292 = arith.constant 3072 : i32
    %dma_wait3A_293 = tpu.memref_slice %arg6[%dma_wait3A_292] : memref<8192xf32, #tpu.memory_space<vmem>> -> memref<1024xf32, #tpu.memory_space<vmem>>
    %dma_wait3A_294 = tpu.memref_slice %arg3[%select_n3A, %dma_wait3A_291, %mul3A_34] : memref<4x8x8192xf32, #tpu.memory_space<hbm>> -> memref<1x1x1024xf32, #tpu.memory_space<hbm>>
    %dma_wait3A_295 = tpu.memref_squeeze %dma_wait3A_294 : memref<1x1x1024xf32, #tpu.memory_space<hbm>> -> memref<1024xf32, #tpu.memory_space<hbm>>
    %dma_wait3A_296 = tpu.memref_slice %arg3[%select_n3A, %dma_wait3A_291, %mul3A_34] : memref<4x8x8192xf32, #tpu.memory_space<hbm>> -> memref<1x1x1024xf32, #tpu.memory_space<hbm>>
    %dma_wait3A_297 = tpu.memref_squeeze %dma_wait3A_296 : memref<1x1x1024xf32, #tpu.memory_space<hbm>> -> memref<1024xf32, #tpu.memory_space<hbm>>
    %dma_wait3A_298 = arith.constant 3072 : i32
    %dma_wait3A_299 = tpu.memref_slice %arg6[%dma_wait3A_298] : memref<8192xf32, #tpu.memory_space<vmem>> -> memref<1024xf32, #tpu.memory_space<vmem>>
    tpu.wait_dma2 semaphore(%arg9 : memref<!tpu.dma_semaphore, #tpu.memory_space<semaphore_mem>>) src(%dma_wait3A_299 : memref<1024xf32, #tpu.memory_space<vmem>>) dst(%dma_wait3A_297 : memref<1024xf32, #tpu.memory_space<hbm>>)
    %dma_wait3A_300 = arith.constant 4 : i32
    %dma_wait3A_301 = arith.constant 4096 : i32
    %dma_wait3A_302 = tpu.memref_slice %arg6[%dma_wait3A_301] : memref<8192xf32, #tpu.memory_space<vmem>> -> memref<1024xf32, #tpu.memory_space<vmem>>
    %dma_wait3A_303 = tpu.memref_slice %arg3[%select_n3A, %dma_wait3A_300, %mul3A_34] : memref<4x8x8192xf32, #tpu.memory_space<hbm>> -> memref<1x1x1024xf32, #tpu.memory_space<hbm>>
    %dma_wait3A_304 = tpu.memref_squeeze %dma_wait3A_303 : memref<1x1x1024xf32, #tpu.memory_space<hbm>> -> memref<1024xf32, #tpu.memory_space<hbm>>
    %dma_wait3A_305 = tpu.memref_slice %arg3[%select_n3A, %dma_wait3A_300, %mul3A_34] : memref<4x8x8192xf32, #tpu.memory_space<hbm>> -> memref<1x1x1024xf32, #tpu.memory_space<hbm>>
    %dma_wait3A_306 = tpu.memref_squeeze %dma_wait3A_305 : memref<1x1x1024xf32, #tpu.memory_space<hbm>> -> memref<1024xf32, #tpu.memory_space<hbm>>
    %dma_wait3A_307 = arith.constant 4096 : i32
    %dma_wait3A_308 = tpu.memref_slice %arg6[%dma_wait3A_307] : memref<8192xf32, #tpu.memory_space<vmem>> -> memref<1024xf32, #tpu.memory_space<vmem>>
    tpu.wait_dma2 semaphore(%arg9 : memref<!tpu.dma_semaphore, #tpu.memory_space<semaphore_mem>>) src(%dma_wait3A_308 : memref<1024xf32, #tpu.memory_space<vmem>>) dst(%dma_wait3A_306 : memref<1024xf32, #tpu.memory_space<hbm>>)
    %dma_wait3A_309 = arith.constant 5 : i32
    %dma_wait3A_310 = arith.constant 5120 : i32
    %dma_wait3A_311 = tpu.memref_slice %arg6[%dma_wait3A_310] : memref<8192xf32, #tpu.memory_space<vmem>> -> memref<1024xf32, #tpu.memory_space<vmem>>
    %dma_wait3A_312 = tpu.memref_slice %arg3[%select_n3A, %dma_wait3A_309, %mul3A_34] : memref<4x8x8192xf32, #tpu.memory_space<hbm>> -> memref<1x1x1024xf32, #tpu.memory_space<hbm>>
    %dma_wait3A_313 = tpu.memref_squeeze %dma_wait3A_312 : memref<1x1x1024xf32, #tpu.memory_space<hbm>> -> memref<1024xf32, #tpu.memory_space<hbm>>
    %dma_wait3A_314 = tpu.memref_slice %arg3[%select_n3A, %dma_wait3A_309, %mul3A_34] : memref<4x8x8192xf32, #tpu.memory_space<hbm>> -> memref<1x1x1024xf32, #tpu.memory_space<hbm>>
    %dma_wait3A_315 = tpu.memref_squeeze %dma_wait3A_314 : memref<1x1x1024xf32, #tpu.memory_space<hbm>> -> memref<1024xf32, #tpu.memory_space<hbm>>
    %dma_wait3A_316 = arith.constant 5120 : i32
    %dma_wait3A_317 = tpu.memref_slice %arg6[%dma_wait3A_316] : memref<8192xf32, #tpu.memory_space<vmem>> -> memref<1024xf32, #tpu.memory_space<vmem>>
    tpu.wait_dma2 semaphore(%arg9 : memref<!tpu.dma_semaphore, #tpu.memory_space<semaphore_mem>>) src(%dma_wait3A_317 : memref<1024xf32, #tpu.memory_space<vmem>>) dst(%dma_wait3A_315 : memref<1024xf32, #tpu.memory_space<hbm>>)
    %dma_wait3A_318 = arith.constant 6 : i32
    %dma_wait3A_319 = arith.constant 6144 : i32
    %dma_wait3A_320 = tpu.memref_slice %arg6[%dma_wait3A_319] : memref<8192xf32, #tpu.memory_space<vmem>> -> memref<1024xf32, #tpu.memory_space<vmem>>
    %dma_wait3A_321 = tpu.memref_slice %arg3[%select_n3A, %dma_wait3A_318, %mul3A_34] : memref<4x8x8192xf32, #tpu.memory_space<hbm>> -> memref<1x1x1024xf32, #tpu.memory_space<hbm>>
    %dma_wait3A_322 = tpu.memref_squeeze %dma_wait3A_321 : memref<1x1x1024xf32, #tpu.memory_space<hbm>> -> memref<1024xf32, #tpu.memory_space<hbm>>
    %dma_wait3A_323 = tpu.memref_slice %arg3[%select_n3A, %dma_wait3A_318, %mul3A_34] : memref<4x8x8192xf32, #tpu.memory_space<hbm>> -> memref<1x1x1024xf32, #tpu.memory_space<hbm>>
    %dma_wait3A_324 = tpu.memref_squeeze %dma_wait3A_323 : memref<1x1x1024xf32, #tpu.memory_space<hbm>> -> memref<1024xf32, #tpu.memory_space<hbm>>
    %dma_wait3A_325 = arith.constant 6144 : i32
    %dma_wait3A_326 = tpu.memref_slice %arg6[%dma_wait3A_325] : memref<8192xf32, #tpu.memory_space<vmem>> -> memref<1024xf32, #tpu.memory_space<vmem>>
    tpu.wait_dma2 semaphore(%arg9 : memref<!tpu.dma_semaphore, #tpu.memory_space<semaphore_mem>>) src(%dma_wait3A_326 : memref<1024xf32, #tpu.memory_space<vmem>>) dst(%dma_wait3A_324 : memref<1024xf32, #tpu.memory_space<hbm>>)
    %dma_wait3A_327 = arith.constant 7 : i32
    %dma_wait3A_328 = arith.constant 7168 : i32
    %dma_wait3A_329 = tpu.memref_slice %arg6[%dma_wait3A_328] : memref<8192xf32, #tpu.memory_space<vmem>> -> memref<1024xf32, #tpu.memory_space<vmem>>
    %dma_wait3A_330 = tpu.memref_slice %arg3[%select_n3A, %dma_wait3A_327, %mul3A_34] : memref<4x8x8192xf32, #tpu.memory_space<hbm>> -> memref<1x1x1024xf32, #tpu.memory_space<hbm>>
    %dma_wait3A_331 = tpu.memref_squeeze %dma_wait3A_330 : memref<1x1x1024xf32, #tpu.memory_space<hbm>> -> memref<1024xf32, #tpu.memory_space<hbm>>
    %dma_wait3A_332 = tpu.memref_slice %arg3[%select_n3A, %dma_wait3A_327, %mul3A_34] : memref<4x8x8192xf32, #tpu.memory_space<hbm>> -> memref<1x1x1024xf32, #tpu.memory_space<hbm>>
    %dma_wait3A_333 = tpu.memref_squeeze %dma_wait3A_332 : memref<1x1x1024xf32, #tpu.memory_space<hbm>> -> memref<1024xf32, #tpu.memory_space<hbm>>
    %dma_wait3A_334 = arith.constant 7168 : i32
    %dma_wait3A_335 = tpu.memref_slice %arg6[%dma_wait3A_334] : memref<8192xf32, #tpu.memory_space<vmem>> -> memref<1024xf32, #tpu.memory_space<vmem>>
    tpu.wait_dma2 semaphore(%arg9 : memref<!tpu.dma_semaphore, #tpu.memory_space<semaphore_mem>>) src(%dma_wait3A_335 : memref<1024xf32, #tpu.memory_space<vmem>>) dst(%dma_wait3A_333 : memref<1024xf32, #tpu.memory_space<hbm>>)
    %dma_wait3A_336 = arith.constant 0 : i32
    %dma_wait3A_337 = tpu.memref_slice %arg4[%dma_wait3A_336, %mul3A_2] : memref<2x32768xi32, #tpu.memory_space<hbm>> -> memref<1x1024xi32, #tpu.memory_space<hbm>>
    %dma_wait3A_338 = tpu.memref_squeeze %dma_wait3A_337 : memref<1x1024xi32, #tpu.memory_space<hbm>> -> memref<1024xi32, #tpu.memory_space<hbm>>
    %dma_wait3A_339 = tpu.memref_slice %arg4[%dma_wait3A_336, %mul3A_2] : memref<2x32768xi32, #tpu.memory_space<hbm>> -> memref<1x1024xi32, #tpu.memory_space<hbm>>
    %dma_wait3A_340 = tpu.memref_squeeze %dma_wait3A_339 : memref<1x1024xi32, #tpu.memory_space<hbm>> -> memref<1024xi32, #tpu.memory_space<hbm>>
    tpu.wait_dma2 semaphore(%arg9 : memref<!tpu.dma_semaphore, #tpu.memory_space<semaphore_mem>>) src(%arg7 : memref<1024xi32, #tpu.memory_space<vmem>>) dst(%dma_wait3A_340 : memref<1024xi32, #tpu.memory_space<hbm>>)
    %dma_wait3A_341 = arith.constant 1 : i32
    %dma_wait3A_342 = tpu.memref_slice %arg4[%dma_wait3A_341, %mul3A_2] : memref<2x32768xi32, #tpu.memory_space<hbm>> -> memref<1x1024xi32, #tpu.memory_space<hbm>>
    %dma_wait3A_343 = tpu.memref_squeeze %dma_wait3A_342 : memref<1x1024xi32, #tpu.memory_space<hbm>> -> memref<1024xi32, #tpu.memory_space<hbm>>
    %dma_wait3A_344 = tpu.memref_slice %arg4[%dma_wait3A_341, %mul3A_2] : memref<2x32768xi32, #tpu.memory_space<hbm>> -> memref<1x1024xi32, #tpu.memory_space<hbm>>
    %dma_wait3A_345 = tpu.memref_squeeze %dma_wait3A_344 : memref<1x1024xi32, #tpu.memory_space<hbm>> -> memref<1024xi32, #tpu.memory_space<hbm>>
    tpu.wait_dma2 semaphore(%arg9 : memref<!tpu.dma_semaphore, #tpu.memory_space<semaphore_mem>>) src(%arg8 : memref<1024xi32, #tpu.memory_space<vmem>>) dst(%dma_wait3A_345 : memref<1024xi32, #tpu.memory_space<hbm>>)
    return
  }
}

module attributes {stable_mosaic.version = 14 : i64} {
  func.func @_tc_logits_body(%arg0: i32, %arg1: memref<4096x384xf32, #tpu.memory_space<vmem>>, %arg2: memref<4096x384xf32, #tpu.memory_space<vmem>>, %arg3: memref<8x384xf32, #tpu.memory_space<vmem>>, %arg4: memref<8x384xf32, #tpu.memory_space<vmem>>, %arg5: memref<8x1xf32, #tpu.memory_space<vmem>>, %arg6: memref<8x4096xf32, #tpu.memory_space<vmem>>) attributes {dimension_semantics = [#tpu.dimension_semantics<arbitrary>], iteration_bounds = array<i64: 8>, scalar_prefetch = 0 : i64, scratch_operands = 0 : i64, tpu.core_type = #tpu.core_type<tc>, window_params = [{transform_indices = @transform_0, window_bounds = array<i64: 4096, 384>}, {transform_indices = @transform_1, window_bounds = array<i64: 4096, 384>}, {transform_indices = @transform_2, window_bounds = array<i64: 8, 384>}, {transform_indices = @transform_3, window_bounds = array<i64: 8, 384>}, {pipeline_mode = #tpu.pipeline_mode<synchronous>, transform_indices = @transform_4, window_bounds = array<i64: 8, 1>}, {transform_indices = @transform_5, window_bounds = array<i64: 8, 4096>}]} {
    %get3A = arith.constant 0 : index
    %get3A_0 = arith.constant 0 : index
    %get3A_1 = vector.load %arg5[%get3A, %get3A_0] : memref<8x1xf32, #tpu.memory_space<vmem>>, vector<8x1xf32>
    %get3A_2 = arith.constant 0 : index
    %get3A_3 = arith.constant 0 : index
    %get3A_4 = vector.load %arg3[%get3A_2, %get3A_3] : memref<8x384xf32, #tpu.memory_space<vmem>>, vector<8x384xf32>
    %get3A_5 = arith.constant 0 : index
    %get3A_6 = arith.constant 0 : index
    %get3A_7 = vector.load %arg1[%get3A_5, %get3A_6] : memref<4096x384xf32, #tpu.memory_space<vmem>>, vector<4096x384xf32>
    %dot_general3A = arith.constant dense<0.000000e+00> : vector<8x4096xf32>
    %dot_general3A_8 = tpu.matmul %get3A_4, %get3A_7, %dot_general3A {dimension_numbers = #tpu.dot_dimension_numbers<[1], [1], [0], [0], [0, 0, 1, 0], [], []>, transpose_lhs_hint = false} : vector<8x384xf32>, vector<4096x384xf32>, vector<8x4096xf32> -> vector<8x4096xf32>
    %add3A = vector.broadcast %get3A_1 : vector<8x1xf32> to vector<8x4096xf32>
    %add3A_9 = arith.addf %add3A, %dot_general3A_8 : vector<8x4096xf32>
    %get3A_10 = arith.constant 0 : index
    %get3A_11 = arith.constant 0 : index
    %get3A_12 = vector.load %arg4[%get3A_10, %get3A_11] : memref<8x384xf32, #tpu.memory_space<vmem>>, vector<8x384xf32>
    %get3A_13 = arith.constant 0 : index
    %get3A_14 = arith.constant 0 : index
    %get3A_15 = vector.load %arg2[%get3A_13, %get3A_14] : memref<4096x384xf32, #tpu.memory_space<vmem>>, vector<4096x384xf32>
    %dot_general3A_16 = arith.constant dense<0.000000e+00> : vector<8x4096xf32>
    %dot_general3A_17 = tpu.matmul %get3A_12, %get3A_15, %dot_general3A_16 {dimension_numbers = #tpu.dot_dimension_numbers<[1], [1], [0], [0], [0, 0, 1, 0], [], []>, transpose_lhs_hint = false} : vector<8x384xf32>, vector<4096x384xf32>, vector<8x4096xf32> -> vector<8x4096xf32>
    %add3A_18 = arith.addf %add3A_9, %dot_general3A_17 : vector<8x4096xf32>
    %swap3A = arith.constant 0 : index
    %swap3A_19 = arith.constant 0 : index
    %swap3A_20 = vector.load %arg6[%swap3A, %swap3A_19] : memref<8x4096xf32, #tpu.memory_space<vmem>>, vector<8x4096xf32>
    tpu.vector_store %arg6[%swap3A, %swap3A_19], %add3A_18 {strides = array<i32>} : memref<8x4096xf32, #tpu.memory_space<vmem>>, vector<8x4096xf32>,
    return
  }
  func.func @transform_0(%arg0: i32) -> (i32, i32) {
    %c0_i32 = arith.constant 0 : i32
    %c0_i32_0 = arith.constant 0 : i32
    return %arg0, %c0_i32 : i32, i32
  }
  func.func @transform_1(%arg0: i32) -> (i32, i32) {
    %c1_i32 = arith.constant 1 : i32
    %c0_i32 = arith.constant 0 : i32
    return %arg0, %c1_i32 : i32, i32
  }
  func.func @transform_2(%arg0: i32) -> (i32, i32) {
    %c0_i32 = arith.constant 0 : i32
    %c0_i32_0 = arith.constant 0 : i32
    %c0_i32_1 = arith.constant 0 : i32
    return %c0_i32, %c0_i32_0 : i32, i32
  }
  func.func @transform_3(%arg0: i32) -> (i32, i32) {
    %c0_i32 = arith.constant 0 : i32
    %c1_i32 = arith.constant 1 : i32
    %c0_i32_0 = arith.constant 0 : i32
    return %c0_i32, %c1_i32 : i32, i32
  }
  func.func @transform_4(%arg0: i32) -> (i32, i32) {
    %c0_i32 = arith.constant 0 : i32
    %c0_i32_0 = arith.constant 0 : i32
    %c0_i32_1 = arith.constant 0 : i32
    return %c0_i32, %c0_i32_0 : i32, i32
  }
  func.func @transform_5(%arg0: i32) -> (i32, i32) {
    %c0_i32 = arith.constant 0 : i32
    %c0_i32_0 = arith.constant 0 : i32
    return %c0_i32, %arg0 : i32, i32
  }
}

</mosaic_0001>

<sc_bundles>
// kernel: kernel.4.cloned.1.call-start
scs
__scs_entry_jumppad:
0x0: {  	(pc) =	sbr.rel $0x88, $3  }
0x1: {  	(tag) =	ssettag $0x0;
	lr =	simm.s32 $0x1  }
0x2: {  	[smem:$0x3F9E] =	sst lr;
	_ =	strace $0xD0000000  }
0x3: {  	_ = 	snop  }
0x4: {  	_ = 	snop  }
0x5: {  	_ = 	snop  }
0x6: {  	_ = 	snop  }
0x7: {  	_ = 	snop  }
__scs_overlays_trampoline_lowered:
0x8: {  	[smem:$0x3FAD] =	sst s0  }
0x9: {  	[smem:$0x3FAE] =	sst s1  }
0xa: {  	[smem:$0x3FAF] =	sst s2  }
0xb: {  	[smem:$0x3FB0] =	sst s3  }
0xc: {  	[smem:$0x3FB1] =	sst s4  }
0xd: {  	[smem:$0x3FB2] =	sst s5  }
0xe: {  	[smem:$0x3FB3] =	sst s6  }
0xf: {  	[smem:$0x3FB4] =	sst s7  }
0x10: {  	[smem:$0x3FB5] =	sst s8  }
0x11: {  	[smem:$0x3FB6] =	sst s9;
	s0 =	simm.s32 @!p0 $0x0  }
0x12: {  	s1 =	sld [smem:$0x3F9C];
	s0 =	simm.s32 @p0 $0x1  }
0x13: {  	[smem:$0x3FB7] =	sst s0;
	s0 =	simm.s32 @!p1 $0x0  }
0x14: {  	s2 =	sld [smem:$0x3F9B];
	s0 =	simm.s32 @p1 $0x1  }
0x15: {  	[smem:$0x3FB8] =	sst s0;
	s0 =	simm.s32 @!p2 $0x0  }
0x16: {  	s3 =	sld [smem:$0x3FDB];
	s0 =	simm.s32 @p2 $0x1  }
0x17: {  	s4 =	simm.s32 $0x1BF5;
	[smem:$0x3FBA] =	sst s0  }
0x18: {  	s0 =	sld [smem:$0x3F9D];
	_ =	swait.ge [sflag:s4], $0x0  }
0x19: {  	s7 =	sld [smem:$0x3F9E]  }
0x1a: {  	s8 =	sadd.s32 $0xFFFFE003, lr  }
0x1b: {  	s9 =	sadd.s32 $0xFFFFFEF7, lr;
	s5 =	simm.s32 $0xFFFFFFFF;
	p2 =	slt.u32 s8, $0xFFFFF086  }
0x1c: {  	p1 =	slt.u32 s9, $0xF7A;
	s5 =	simm.s32 @!p2 $0x0  }
0x1d: {  	s5 =	simm.s32 @p1 $0x1;
	p0 =	seq.s32 s7, s2  }
0x1e: {  	s7 =	smul.u32 @!p0 $0xF7A, s2;
	p2 =	seq.s32 @!p0 s5, $0x0  }
0x1f: {  	s9 =	smul.u32 $0xF7A, s1;
	s8 =	simm.s32 @!p0 $0x1BF5;
	p2 =	por !p2, p0  }
0x20: {  	[sflag:s8] =	ssyncset.s32 @!p0 $0xFFFFF086;
	s6 =	sadd.s32 @!p0 s3, s7;
	s7 =	simm.s32 @!p0 $0x108  }
0x21: {  	s3 =	sadd.s32 s3, s9;
	s6 =	sadd.s32 @!p0 $0x88, s6;
	s7 =	simm.s32 @p2 $0x1082  }
0x22: {  	[simem:s7], [sflag:s8] =	dma.local @!p0 [hbm:s6], $0xF7A  }
0x23: {  	s9 =	sor.u32 $0xD0000000, s2;
	s6 =	simm.s32 $0x108;
	_ =	swait.ge @!p0 [sflag:s8], $0x0  }
0x24: {  	s3 =	sadd.s32 $0x88, s3;
	s6 =	simm.s32 @!p1 $0x1082;
	[sflag:s4] =	ssyncset.s32 $0xFFFFF086  }
0x25: {  	[simem:s6], [sflag:s4] =	dma.local [hbm:s3], $0xF7A  }
0x26: {  	[smem:$0x3F9E] =	sst s1;
	(tag) =	ssettag s2;
	_ =	strace s9  }
0x27: {  	s1 =	sld [smem:$0x3FAE]  }
0x28: {  	s2 =	sld [smem:$0x3FAF]  }
0x29: {  	s4 =	sld [smem:$0x3FB1]  }
0x2a: {  	p0 =	seq.s32 s5, $0x0;
	s5 =	sld [smem:$0x3FB2]  }
0x2b: {  	s6 =	sld [smem:$0x3FB3]  }
0x2c: {  	s7 =	sld [smem:$0x3FB4]  }
0x2d: {  	s3 =	simm.s32 $0x108;
	s8 =	sld [smem:$0x3FB5]  }
0x2e: {  	s3 =	simm.s32 @!p0 $0x1082;
	s9 =	sld [smem:$0x3FB6]  }
0x2f: {  	lr =	sadd.s32 s0, s3;
	s0 =	sld [smem:$0x3FAD]  }
0x30: {  	s3 =	sld [smem:$0x3FB0]  }
0x31: {  	[smem:$0x3FB9] =	sst s10  }
0x32: {  	s10 =	sld [smem:$0x3FB7];
	_ =	sdelay $0x3  }
0x33: {  	p0 =	seq.s32 s10, $0x1;
	s10 =	sld [smem:$0x3FB9];
	_ =	sdelay $0x3  }
0x34: {  	[smem:$0x3FB9] =	sst s10  }
0x35: {  	s10 =	sld [smem:$0x3FB8];
	_ =	sdelay $0x3  }
0x36: {  	p1 =	seq.s32 s10, $0x1;
	s10 =	sld [smem:$0x3FB9];
	_ =	sdelay $0x3  }
0x37: {  	[smem:$0x3FB9] =	sst s10  }
0x38: {  	s10 =	sld [smem:$0x3FBA]  }
0x39: {  	_ = 	snop;
	(pc) =	sbr.ind lr, $3  }
0x3a: {  	_ = 	snop  }
0x3b: {  	_ = 	snop  }
0x3c: {  	p2 =	seq.s32 s10, $0x1;
	s10 =	sld [smem:$0x3FB9]  }
0x3d: {  	_ =	shalt  }
0x3e: {  	_ =	shalt  }
0x3f: {  	_ =	shalt  }
0x40: {  	_ =	shalt  }
0x41: {  	_ =	shalt  }
0x42: {  	_ =	shalt  }
0x43: {  	_ =	shalt  }
0x44: {  	_ =	shalt  }
0x45: {  	_ =	shalt  }
0x46: {  	_ =	shalt  }
0x47: {  	_ =	shalt  }
0x48: {  	_ =	shalt  }
0x49: {  	_ =	shalt  }
0x4a: {  	_ =	shalt  }
0x4b: {  	_ =	shalt  }
0x4c: {  	_ =	shalt  }
0x4d: {  	_ =	shalt  }
0x4e: {  	_ =	shalt  }
0x4f: {  	_ =	shalt  }
0x50: {  	_ =	shalt  }
0x51: {  	_ =	shalt  }
0x52: {  	_ =	shalt  }
0x53: {  	_ =	shalt  }
0x54: {  	_ =	shalt  }
0x55: {  	_ =	shalt  }
0x56: {  	_ =	shalt  }
0x57: {  	_ =	shalt  }
0x58: {  	_ =	shalt  }
0x59: {  	_ =	shalt  }
0x5a: {  	_ =	shalt  }
0x5b: {  	_ =	shalt  }
0x5c: {  	_ =	shalt  }
0x5d: {  	_ =	shalt  }
0x5e: {  	_ =	shalt  }
0x5f: {  	_ =	shalt  }
0x60: {  	_ =	shalt  }
0x61: {  	_ =	shalt  }
0x62: {  	_ =	shalt  }
0x63: {  	_ =	shalt  }
0x64: {  	_ =	shalt  }
0x65: {  	_ =	shalt  }
0x66: {  	_ =	shalt  }
0x67: {  	_ =	shalt  }
0x68: {  	_ =	shalt  }
0x69: {  	_ =	shalt  }
0x6a: {  	_ =	shalt  }
0x6b: {  	_ =	shalt  }
0x6c: {  	_ =	shalt  }
0x6d: {  	_ =	shalt  }
0x6e: {  	_ =	shalt  }
0x6f: {  	_ =	shalt  }
0x70: {  	_ =	shalt  }
0x71: {  	_ =	shalt  }
0x72: {  	_ =	shalt  }
0x73: {  	_ =	shalt  }
0x74: {  	_ =	shalt  }
0x75: {  	_ =	shalt  }
0x76: {  	_ =	shalt  }
0x77: {  	_ =	shalt  }
0x78: {  	_ =	shalt  }
0x79: {  	_ =	shalt  }
0x7a: {  	_ =	shalt  }
0x7b: {  	_ =	shalt  }
0x7c: {  	_ =	shalt  }
0x7d: {  	_ =	shalt  }
0x7e: {  	_ =	shalt  }
0x7f: {  	_ =	shalt  }
0x80: {  	_ =	shalt  }
0x81: {  	_ =	shalt  }
0x82: {  	_ =	shalt  }
0x83: {  	_ =	shalt  }
0x84: {  	_ =	shalt  }
0x85: {  	_ =	shalt  }
0x86: {  	_ =	shalt  }
0x87: {  	_ =	shalt  }
.Lfunc_end0:
.L_simem_size_0:
called_computation_lowered:
.L_overlay_start_0:
0x88: {  	s2 =	sld [smem:$0x3FD9]  }
0x89: {  	s3 =	sld [smem:$0x3FFE];
	_ =	sdelay $0x1  }
0x8a: {  	s1 =	srdreg.scid  }
0x8b: {  	s0 =	sand.u32 $0x1, s1  }
0x8c: {  	s14 =	sshll.u32 s0, $0xA;
	s2 =	sadd.s32 s3, s2  }
0x8d: {  	s2 =	sadd.s32 s2, s14  }
0x8e: {  	[smem:$0x3FC5] =	sst s2  }
0x8f: {  	_ = 	snop  }
0x90: {  	s2 =	sld [smem:$0x3FD0];
	_ =	sdelay $0x2  }
0x91: {  	s15 =	simm.s32 $0xA;
	s4 =	simm.s32 $0x10  }
0x92: {  	[smem:s4], [sflag:s15] =	dma.local [hbm:s2], $0x1  }
0x93: {  	_ =	swait.eq [sflag:s15], $0x1  }
0x94: {  	[sflag:s15] =	ssyncset.done $0x0  }
0x95: {  	s16 =	sld [smem:$0x10];
	[sflag:s15] =	ssyncadd.s32 $0xFFFFFFFF  }
0x96: {  	s17 =	sld [smem:$0x11];
	(tm) =	ssettm $0x1  }
0x97: {  	s18 =	sld [smem:$0x3FFB];
	_ =	sdelay $0x3  }
0x98: {  	_ =	strace s18  }
0x99: {  	s4 =	sld [smem:$0x3FFC];
	_ =	sdelay $0x3  }
0x9a: {  	_ =	strace s4  }
0x9b: {  	s4 =	sld [smem:$0x3FFD];
	_ =	sdelay $0x3  }
0x9c: {  	_ =	strace s4  }
0x9d: {  	_ =	strace $0x8FFFFFFF  }
0x9e: {  	s19 =	sld [smem:$0x3FDB];
	_ =	sdelay $0x1  }
0x9f: {  	s5 =	simm.s32 $_scs_section_size  }
0xa0: {  	s6 =	simm.s32 $_size__tile_overlayer_lowered;
	s7 =	simm.s32 $_tile_overlayer_lowered  }
0xa1: {  	s22 =	simm.s32 $0x1BFF;
	s21 =	sshll.u32 s7, $0x1;
	s4 =	sadd.s32 s5, s19  }
0xa2: {  	s8 =	simm.s32 $0x0;
	s20 =	sshll.u32 s6, $0x1;
	s6 =	sadd.s32 s21, s4  }
0xa3: {  	[timem:s8], [sflag:s22] =	dma.local [hbm:s6], s20  }
0xa4: {  	_ =	swait.ge [sflag:s22], s20  }
0xa5: {  	s5 =	ssub.s32 $0x0, s20;
	[sflag:s22] =	ssyncset.done $0x0  }
0xa6: {  	[sflag:s22] =	ssyncadd.s32 s5;
	_ =	sdelay $0x1  }
0xa7: {  	s23 =	simm.s32 $0x1B8B  }
0xa8: {  	_ =	swait.ge [sflag:s23], $0x1  }
0xa9: {  	[sflag:s23] =	ssyncset.done $0x0  }
0xaa: {  	s25 =	simm.s32 $0x1B8E;
	s24 =	sld [smem:$0x3FFE];
	[sflag:s23] =	ssyncadd.s32 $0xFFFFFFFF  }
0xab: {  	s26 =	simm.s32 $execute0_lowered;
	[smem:$0x3FD2] =	sst s25  }
0xac: {  	s6 =	sshll.u32 s26, $0x1;
	_ =	strace $0x80000046;
	[dreg:$0x1] =	wrdreg $0xFFFFFFFF  }
0xad: {  	s28 =	simm.s32 $_size_execute0_lowered;
	s4 =	sadd.s32 s4, s6;
	[dreg:$0x0] =	wrdreg $0x0  }
0xae: {  	s6 =	sshll.u32 s28, $0x1;
	[dreg:$0x2] =	wrdreg s4  }
0xaf: {  	[dreg:$0x3] =	wrdreg s6  }
0xb0: {  	[dreg:$0x4] =	wrdreg $0xC0  }
0xb1: {  	_ =	task [dreg:s8], $0x5FFFF  }
0xb2: {  	[dreg:$0x1] =	wrdreg $0xFFFFFFFF  }
0xb3: {  	[dreg:$0x0] =	wrdreg $0x60  }
0xb4: {  	[dreg:$0x2] =	wrdreg s24  }
0xb5: {  	[dreg:$0x3] =	wrdreg s16  }
0xb6: {  	[dreg:$0x4] =	wrdreg s17  }
0xb7: {  	[dreg:$0x5] =	wrdreg $0x9  }
0xb8: {  	_ =	task.clear_ibuf [dreg:s8], $0x6FFFF;
	_ =	strace $0x90000046  }
0xb9: {  	s29 =	simm.s32 $0x9;
	_ =	strace $0x80000048  }
0xba: {  	_ =	swait.ge [sflag:s29], $0x1  }
0xbb: {  	[sflag:s29] =	ssyncadd.s32 $0xFFFFFFFF  }
0xbc: {  	_ =	strace $0x90000048  }
0xbd: {  	_ =	sfence  }
0xbe: {  	s30 =	sld [smem:$0x0];
	_ =	sdelay $0x2  }
0xbf: {  	s31 =	sshll.u32 s1, $0xD;
	s1 =	sshrl.u32 s1, $0x2  }
0xc0: {  	s3 =	sand.u32 $0x4000, s31;
	s1 =	sadd.s32 s1, s30  }
0xc1: {  	s0 =	sor.u32 s3, s0;
	s1 =	sshll.u32 s1, $0x11  }
0xc2: {  	s0 =	sor.u32 s1, s0  }
0xc3: {  	s0 =	sadd.s32 $0x8F2B, s0  }
0xc4: {  	[sflag:s0] =	ssyncadd.remote.s32 $0x1  }
0xc5: {  	_ =	sfence.sel $0xFFFF  }
0xc6: {  	[dreg:$0x0] =	wrdreg $0xFFFFFFFF;
	(pc) =	sbr.abs _section_cstart, $3  }
0xc7: {  	[dreg:$0x1] =	wrdreg $0xFFFFFFFF  }
0xc8: {  	_ =	task.clear_ibuf [dreg:s8], $0x2FFFF;
	_ =	strace $0x9FFFFFFF  }
0xc9: {  	(tm) =	ssettm $0x7FFFFFFF  }
tec
execute0_lowered:
.L_overlay_start_1:
0x0: {  	(tag) =	ssettag $0x1  }
0x1: {  	s0 =	rddreg [dreg:$0x0]  }
0x2: {  	s1 =	rddreg [dreg:$0x1]  }
0x3: {  	s2 =	rddreg [dreg:$0x2]  }
0x4: {  	s3 =	srdreg.scid;
	s5 =	stileid.u32;
	s6 =	simm.s32 $0x0  }
0x5: {  	s22 =	simm.s32 $0x80;
	s23 =	simm.s32 $0x400;
	s31 =	simm.s32 $0x1  }
0x6: {  	s29 =	simm.s32 $0x3C00;
	s30 =	simm.s32 $0x100;
	s3 =	sand.u32 $0x1, s3  }
0x7: {  	s4 =	sshll.u32 s5, $0x1;
	[smem:$0x7FF] =	sst s6;
	s7 =	sshll.u32 s5, $0xB  }
0x8: {  	s16 =	sor.u32 s3, s4;
	s3 =	ssub.s32 $0x2, s3;
	_ =	strace $0x80000047  }
0x9: {  	s9 =	sand.u32 $0x6000, s7;
	s25 =	sshll.u32 s16, $0xA;
	s26 =	sshrl.u32 s3, $0x1  }
0xa: {  	s28 =	sshll.u32 s16, $0x8;
	s0 =	sadd.s32 s25, s0;
	s21 =	ssub.s32 s3, s26  }
0xb: {  	s8 =	sand.u32 $0x1C00, s25;
	s18 =	sadd.s32 s2, s28;
	s2 =	simm.s32 $0x0  }
0xc: {  	s3 =	sadd.s32 $0xC00, s0;
	s4 =	sadd.s32 $0xC10, s0;
	s5 =	sadd.s32 $0xC20, s0  }
0xd: {  	s6 =	sadd.s32 $0xC30, s0;
	s7 =	sadd.s32 $0xC40, s0;
	s10 =	sor.u32 s9, s8  }
0xe: {  	s8 =	sadd.s32 $0xC50, s0;
	s9 =	sadd.s32 $0xC60, s0;
	s11 =	sadd.s32 $0xC70, s0  }
0xf: {  	s20 =	sadd.s32 $0x10, s18;
	s21 =	smax.u32 s21, $0x1;
	s10 =	sadd.s32 s1, s10  }
0x10: {  	s0 =	simm.s32 $0x4000;
	s1 =	simm.s32 $0x4400;
	s12 =	sadd.s32 $0x10, s10  }
0x11: {  	s13 =	sadd.s32 $0x20, s10;
	s14 =	sadd.s32 $0x30, s10;
	s15 =	sadd.s32 $0x40, s10  }
0x12: {  	v0 =	vimm.s32 $0x0;
	s16 =	sadd.s32 $0x50, s10;
	s17 =	sadd.s32 $0x60, s10;
	s19 =	sadd.s32 $0x70, s10  }
.LBB2_1:
0x13: {  	s24 =	simm.s32 $0x0  }
0x14: {  	[tilespmem:s24], [sflag:$0x1] =	stream.strided.gather [hbm4b:s3+s22], $0x400, s23, s22, $0x38;
	[tilespmem:$0x4800] =	vst v63  }
0x15: {  	_ = 	snop  }
0x16: {  	[tilespmem:s23], [sflag:$0x1] =	stream.strided.gather [hbm4b:s4+s22], $0x400, s23, s22, $0x38;
	[tilespmem:$0x4800] =	vst v63  }
0x17: {  	s25 =	simm.s32 $0x800  }
0x18: {  	[tilespmem:s25], [sflag:$0x1] =	stream.strided.gather [hbm4b:s5+s22], $0x400, s23, s22, $0x38;
	[tilespmem:$0x4800] =	vst v63  }
0x19: {  	s26 =	simm.s32 $0xC00  }
0x1a: {  	[tilespmem:s26], [sflag:$0x1] =	stream.strided.gather [hbm4b:s6+s22], $0x400, s23, s22, $0x38;
	[tilespmem:$0x4800] =	vst v63  }
0x1b: {  	s28 =	simm.s32 $0x1000  }
0x1c: {  	[tilespmem:s28], [sflag:$0x1] =	stream.strided.gather [hbm4b:s7+s22], $0x400, s23, s22, $0x38;
	[tilespmem:$0x4800] =	vst v63  }
0x1d: {  	s25 =	simm.s32 $0x1400  }
0x1e: {  	[tilespmem:s25], [sflag:$0x1] =	stream.strided.gather [hbm4b:s8+s22], $0x400, s23, s22, $0x38;
	[tilespmem:$0x4800] =	vst v63  }
0x1f: {  	s26 =	simm.s32 $0x1800  }
0x20: {  	[tilespmem:s26], [sflag:$0x1] =	stream.strided.gather [hbm4b:s9+s22], $0x400, s23, s22, $0x38;
	[tilespmem:$0x4800] =	vst v63  }
0x21: {  	s28 =	simm.s32 $0x1C00  }
0x22: {  	[tilespmem:s28], [sflag:$0x1] =	stream.strided.gather [hbm4b:s11+s22], $0x400, s23, s22, $0x38;
	[tilespmem:$0x4800] =	vst v63  }
0x23: {  	_ =	swait.ge [sflag:s31], $0x400  }
0x24: {  	[sflag:s31] =	ssyncset.done $0x0  }
0x25: {  	[sflag:s31] =	ssyncadd.s32 $0xFFFFFC00  }
0x26: {  	_ =	swait.ge [sflag:s31], $0x400  }
0x27: {  	[sflag:s31] =	ssyncset.done $0x0  }
0x28: {  	[sflag:s31] =	ssyncadd.s32 $0xFFFFFC00  }
0x29: {  	_ =	swait.ge [sflag:s31], $0x400  }
0x2a: {  	[sflag:s31] =	ssyncset.done $0x0  }
0x2b: {  	[sflag:s31] =	ssyncadd.s32 $0xFFFFFC00  }
0x2c: {  	_ =	swait.ge [sflag:s31], $0x400  }
0x2d: {  	[sflag:s31] =	ssyncset.done $0x0  }
0x2e: {  	[sflag:s31] =	ssyncadd.s32 $0xFFFFFC00  }
0x2f: {  	_ =	swait.ge [sflag:s31], $0x400  }
0x30: {  	[sflag:s31] =	ssyncset.done $0x0  }
0x31: {  	[sflag:s31] =	ssyncadd.s32 $0xFFFFFC00  }
0x32: {  	_ =	swait.ge [sflag:s31], $0x400  }
0x33: {  	[sflag:s31] =	ssyncset.done $0x0  }
0x34: {  	[sflag:s31] =	ssyncadd.s32 $0xFFFFFC00  }
0x35: {  	_ =	swait.ge [sflag:s31], $0x400  }
0x36: {  	[sflag:s31] =	ssyncset.done $0x0  }
0x37: {  	[sflag:s31] =	ssyncadd.s32 $0xFFFFFC00  }
0x38: {  	_ =	swait.ge [sflag:s31], $0x400  }
0x39: {  	[sflag:s31] =	ssyncset.done $0x0  }
0x3a: {  	s24 =	simm.s32 $0x0;
	[sflag:s31] =	ssyncadd.s32 $0xFFFFFC00  }
0x3b: {  	v1 =	vld [tilespmem:s24+$0x400]  }
0x3c: {  	v2 =	vld [tilespmem:s24+$0x0];
	_ =	sdelay $0x2  }
0x3d: {  	v3 =	vld [tilespmem:s24+$0x800]  }
0x3e: {  	vm0 =	vlt.f32 v1, $-Inf;
	vm1 =	vgt.f32 v1, $-Inf  }
0x3f: {  	vm2 =	vgt.f32 v1, v2;
	vm0 =	vmor vm1, vm0  }
0x40: {  	v5 =	vld [tilespmem:s24+$0xC00];
	vm1 =	vmneg vm2;
	v4 =	vnsel vm0, $0xFF800000, v1  }
0x41: {  	v4 =	vsel vm1, v4, v2  }
0x42: {  	v1 =	vsel vm1, v2, v1;
	vm3 =	vgt.f32 v3, v4  }
0x43: {  	vm0 =	vmand vm1, vm0;
	vm1 =	vgt.f32 v3, v1;
	v2 =	vsel vm3, v3, v4;
	v4 =	vld [tilespmem:s24+$0x1000]  }
0x44: {  	v6 =	vsel vm0, $0x1, v0;
	v2 =	vsel vm1, v1, v2  }
0x45: {  	v6 =	vsel vm3, $0x2, v6;
	v1 =	vsel vm1, v3, v1;
	vm0 =	vgt.f32 v5, v2  }
0x46: {  	v7 =	vld [tilespmem:s24+$0x1400];
	v3 =	vsel vm2, $0x1, v0;
	vm2 =	vgt.f32 v5, v1;
	v2 =	vsel vm0, v5, v2  }
0x47: {  	v6 =	vsel vm1, v3, v6;
	v2 =	vsel vm2, v1, v2  }
0x48: {  	v3 =	vsel vm1, $0x2, v3;
	v1 =	vsel vm2, v5, v1;
	vm1 =	vgt.f32 v4, v2  }
0x49: {  	v5 =	vsel vm0, $0x3, v6;
	v6 =	vld [tilespmem:s24+$0x1800];
	vm0 =	vgt.f32 v4, v1;
	v2 =	vsel vm1, v4, v2  }
0x4a: {  	v5 =	vsel vm2, v3, v5;
	v3 =	vsel vm2, $0x3, v3;
	v2 =	vsel vm0, v1, v2  }
0x4b: {  	v5 =	vsel vm1, $0x4, v5;
	v1 =	vsel vm0, v4, v1;
	vm1 =	vgt.f32 v7, v2  }
0x4c: {  	v4 =	vsel vm0, v3, v5;
	v5 =	vld [tilespmem:s24+$0x1C00];
	vm2 =	vgt.f32 v7, v1;
	v2 =	vsel vm1, v7, v2  }
0x4d: {  	v4 =	vsel vm1, $0x5, v4;
	v7 =	vsel vm2, v7, v1;
	v1 =	vsel vm2, v1, v2  }
0x4e: {  	v2 =	vsel vm0, $0x4, v3;
	vm0 =	vgt.f32 v6, v7;
	vm1 =	vgt.f32 v6, v1  }
0x4f: {  	v3 =	vsel vm2, $0x5, v2;
	v2 =	vsel vm2, v2, v4;
	v1 =	vsel vm1, v6, v1  }
0x50: {  	v4 =	vsel vm0, v6, v7;
	v6 =	vsel vm0, v7, v1;
	v1 =	vsel vm1, $0x6, v2  }
0x51: {  	vm1 =	vgt.f32 v5, v4;
	v1 =	vsel vm0, v3, v1;
	vm2 =	vgt.f32 v5, v6  }
0x52: {  	v2 =	vsel vm0, $0x6, v3;
	vm5 =	vmneg vm1;
	v1 =	vsel vm2, $0x7, v1  }
0x53: {  	v7 =	vsel vm5, v1, v2  }
0x54: {  	v1 =	vnsel vm5, $0x7, v2;
	v2 =	vsel vm2, v5, v6;
	[tilespmem:s24+$0x4400] =	vst v7  }
0x55: {  	s25 =	simm.s32 $0x10;
	v3 =	vsel vm5, v4, v5;
	[tilespmem:s24+$0x4000] =	vst v1;
	v2 =	vsel vm5, v2, v4  }
0x56: {  	v2 =	vsub.f32 v2, v3;
	v3 =	vld [tilespmem:s25+$0x400]  }
0x57: {  	v4 =	vld [tilespmem:s25+$0x0];
	_ =	sdelay $0x1  }
0x58: {  	vm1 =	vmand vm0, vm5;
	vm2 =	veq.s32 v1, $0x3  }
0x59: {  	vm3 =	veq.s32 v1, $0x4;
	vm4 =	veq.s32 v7, $0x6;
	v5 =	vld [tilespmem:s25+$0x800];
	v2 =	vmul.f32 $1.442695020e+00, v2  }
0x5a: {  	vm12 =	veq.s32 v7, $0x2;
	vm0 =	vlt.f32 v3, $-Inf;
	vm7 =	vgt.f32 v3, $-Inf  }
0x5b: {  	(erf) = vpow2.f32 v2;
	vm6 =	vgt.f32 v3, v4;
	vm7 =	vmor vm7, vm0  }
0x5c: {  	v6 =	vld [tilespmem:s25+$0xC00];
	vm8 =	vmneg vm6;
	vm0 =	vmmov vm5;
	v2 =	vnsel vm7, $0xFF800000, v3  }
0x5d: {  	v3 =	vsel vm8, v4, v3;
	vm5 =	vmand vm8, vm7;
	v2 =	vsel vm8, v2, v4  }
0x5e: {  	vm7 =	vgt.f32 v5, v3;
	v4 =	vsel vm5, $0x1, v0;
	vm5 =	vgt.f32 v5, v2  }
0x5f: {  	vm13 =	veq.s32 v7, $0x0;
	v8 =	vsel vm7, v5, v3;
	v2 =	vsel vm5, v5, v2;
	v5 =	vld [tilespmem:s25+$0x1000]  }
0x60: {  	v9 =	vsel vm6, $0x1, v0;
	v4 =	vsel vm5, $0x2, v4;
	v2 =	vsel vm7, v3, v2  }
0x61: {  	v3 =	vsel vm7, v9, v4;
	v4 =	vsel vm7, $0x2, v9;
	vm7 =	vgt.f32 v6, v2  }
0x62: {  	vm14 =	veq.s32 v7, $0x1;
	vm8 =	vgt.f32 v6, v8;
	v9 =	vld [tilespmem:s25+$0x1400];
	v2 =	vsel vm7, v6, v2  }
0x63: {  	v3 =	vsel vm7, $0x3, v3;
	v6 =	vsel vm8, v6, v8;
	v2 =	vsel vm8, v8, v2  }
0x64: {  	v10 =	vpop (erf);
	v3 =	vsel vm8, v4, v3;
	v4 =	vsel vm8, $0x3, v4;
	vm7 =	vgt.f32 v5, v2  }
0x65: {  	v8 =	vld [tilespmem:s25+$0x1800];
	v11 =	vadd.f32 $1.000000000e+00, v10;
	vm8 =	vgt.f32 v5, v6;
	v2 =	vsel vm7, v5, v2  }
0x66: {  	vm6 =	veq.s32 v1, $0x5;
	v3 =	vsel vm7, $0x4, v3;
	v2 =	vsel vm8, v6, v2  }
0x67: {  	v5 =	vsel vm8, v5, v6;
	(erf) = vrcp.f32 v11;
	vm7 =	vgt.f32 v9, v2  }
0x68: {  	v3 =	vsel vm8, v4, v3;
	v6 =	vld [tilespmem:s25+$0x1C00];
	vm9 =	vgt.f32 v9, v5;
	v2 =	vsel vm7, v9, v2  }
0x69: {  	v4 =	vsel vm8, $0x4, v4;
	v9 =	vsel vm9, v9, v5;
	v2 =	vsel vm9, v5, v2  }
0x6a: {  	v3 =	vsel vm7, $0x5, v3;
	vm7 =	vgt.f32 v8, v9;
	vm8 =	vgt.f32 v8, v2  }
0x6b: {  	v5 =	vsel vm9, $0x5, v4;
	v3 =	vsel vm9, v4, v3;
	v2 =	vsel vm8, v8, v2  }
0x6c: {  	v11 =	vsel vm7, v8, v9;
	v4 =	vsel vm7, $0x6, v5;
	v2 =	vsel vm7, v9, v2  }
0x6d: {  	vm10 =	vgt.f32 v6, v11;
	v3 =	vsel vm8, $0x6, v3;
	vm11 =	vgt.f32 v6, v2  }
0x6e: {  	v3 =	vsel vm7, v5, v3;
	vm8 =	vmneg vm10;
	v2 =	vsel vm11, v6, v2  }
0x6f: {  	v3 =	vsel vm11, $0x7, v3;
	v6 =	vsel vm8, v11, v6;
	v5 =	vsel vm8, v2, v11  }
0x70: {  	v2 =	vsel vm8, v3, v4;
	v3 =	vnsel vm8, $0x7, v4;
	v4 =	vpop (erf);
	v5 =	vsub.f32 v5, v6  }
0x71: {  	vm5 =	veq.s32 v7, $0x7;
	vm9 =	veq.s32 v7, $0x5;
	v8 =	vmul.f32 v4, v10  }
0x72: {  	vm10 =	veq.s32 v7, $0x4;
	vm11 =	veq.s32 v7, $0x3;
	[tilespmem:s25+$0x4400] =	vst v2;
	v9 =	vmul.f32 $1.442695020e+00, v5  }
0x73: {  	s26 =	simm.s32 $0x80;
	[tilespmem:s25+$0x4000] =	vst v3;
	v5 =	vnsel vm13, $0x0, v8;
	v6 =	vnsel vm14, $0x0, v8;
	v7 =	vnsel vm12, $0x0, v8  }
.LBB2_2:
0x74: {  	s28 =	sshra.s32 s26, $0x2;
	p0 =	sne.s32 s26, $0xFC0;
	s26 =	sadd.s32 $0x40, s26;
	v10 =	vnsel vm11, $0x0, v8;
	v11 =	vnsel vm10, $0x0, v8;
	v12 =	vnsel vm9, $0x0, v8  }
0x75: {  	v14 =	vnsel vm4, $0x0, v8;
	v13 =	vld [tilespmem:s28+$0x0];
	v10 =	vsel vm2, v4, v10;
	v11 =	vsel vm3, v4, v11  }
0x76: {  	v8 =	vnsel vm5, $0x0, v8;
	v15 =	vld [tilespmem:s28+$0x400];
	[tilespmem:s24+$0x2C00] =	vst v10;
	v10 =	vsel vm6, v4, v12;
	v12 =	vsel vm1, v4, v14  }
0x77: {  	vm2 =	veq.s32 v3, $0x3;
	vm3 =	veq.s32 v3, $0x4;
	v8 =	vsel vm0, v8, v4;
	[tilespmem:s24+$0x3400] =	vst v10  }
0x78: {  	vm4 =	veq.s32 v2, $0x6;
	vm0 =	vmmov vm8;
	vm1 =	vmand vm7, vm8;
	[tilespmem:s24+$0x3C00] =	vst v8  }
0x79: {  	vm5 =	veq.s32 v1, $0x0;
	vm6 =	veq.s32 v1, $0x1;
	vm7 =	veq.s32 v1, $0x2;
	v1 =	vmovc v3;
	v8 =	vld [tilespmem:s28+$0x800];
	[tilespmem:s24+$0x3800] =	vst v12  }
0x7a: {  	v3 =	vsel vm6, v4, v6;
	v6 =	vsel vm7, v4, v7;
	(erf) = vpow2.f32 v9;
	[tilespmem:s24+$0x3000] =	vst v11  }
0x7b: {  	vm6 =	vgt.f32 v15, v13;
	vm7 =	vlt.f32 v15, $-Inf;
	vm8 =	vgt.f32 v15, $-Inf;
	[tilespmem:s24+$0x2400] =	vst v3  }
0x7c: {  	v3 =	vsel vm5, v4, v5;
	vm9 =	vmneg vm6;
	vm7 =	vmor vm8, vm7;
	[tilespmem:s24+$0x2800] =	vst v6  }
0x7d: {  	v4 =	vnsel vm7, $0xFF800000, v15;
	vm5 =	vmand vm9, vm7;
	v5 =	vsel vm9, v13, v15;
	v6 =	vld [tilespmem:s28+$0xC00];
	[tilespmem:s24+$0x2000] =	vst v3;
	s24 =	smov.u32 s25;
	s25 =	smov.u32 s28  }
0x7e: {  	v3 =	vsel vm9, v4, v13;
	vm7 =	vgt.f32 v8, v5  }
0x7f: {  	v4 =	vsel vm5, $0x1, v0;
	vm5 =	vgt.f32 v8, v3;
	v7 =	vsel vm7, v8, v5  }
0x80: {  	v9 =	vsel vm6, $0x1, v0;
	v3 =	vsel vm5, v8, v3;
	v4 =	vsel vm5, $0x2, v4;
	v8 =	vld [tilespmem:s25+$0x1000]  }
0x81: {  	vm5 =	veq.s32 v2, $0x7;
	v3 =	vsel vm7, v5, v3;
	v4 =	vsel vm7, v9, v4  }
0x82: {  	vm6 =	veq.s32 v1, $0x5;
	v5 =	vsel vm7, $0x2, v9;
	vm7 =	vgt.f32 v6, v3  }
0x83: {  	vm8 =	vgt.f32 v6, v7;
	v3 =	vsel vm7, v6, v3;
	v4 =	vsel vm7, $0x3, v4;
	v9 =	vld [tilespmem:s25+$0x1400];
	v10 =	vpop (erf)  }
0x84: {  	v3 =	vsel vm8, v7, v3;
	v4 =	vsel vm8, v5, v4;
	v5 =	vsel vm8, $0x3, v5  }
0x85: {  	v6 =	vsel vm8, v6, v7;
	v11 =	vadd.f32 $1.000000000e+00, v10;
	vm7 =	vgt.f32 v8, v3;
	v7 =	vld [tilespmem:s25+$0x1800]  }
0x86: {  	vm8 =	vgt.f32 v8, v6;
	v3 =	vsel vm7, v8, v3;
	v4 =	vsel vm7, $0x4, v4  }
0x87: {  	v3 =	vsel vm8, v6, v3;
	v4 =	vsel vm8, v5, v4;
	v6 =	vsel vm8, v8, v6;
	v8 =	vld [tilespmem:s25+$0x1C00]  }
0x88: {  	vm9 =	vgt.f32 v9, v6;
	vm7 =	vgt.f32 v9, v3;
	(erf) = vrcp.f32 v11  }
0x89: {  	v3 =	vsel vm7, v9, v3;
	v4 =	vsel vm7, $0x5, v4;
	v9 =	vsel vm9, v9, v6  }
0x8a: {  	v5 =	vsel vm8, $0x4, v5;
	v3 =	vsel vm9, v6, v3;
	vm7 =	vgt.f32 v7, v9  }
0x8b: {  	v6 =	vsel vm9, $0x5, v5;
	vm8 =	vgt.f32 v7, v3;
	v11 =	vsel vm7, v7, v9  }
0x8c: {  	v4 =	vsel vm9, v5, v4;
	v3 =	vsel vm8, v7, v3;
	vm10 =	vgt.f32 v8, v11  }
0x8d: {  	vm9 =	veq.s32 v2, $0x5;
	v4 =	vsel vm8, $0x6, v4;
	v3 =	vsel vm7, v9, v3  }
0x8e: {  	v5 =	vsel vm7, $0x6, v6;
	v4 =	vsel vm7, v6, v4;
	vm11 =	vgt.f32 v8, v3  }
0x8f: {  	vm8 =	vmneg vm10;
	v3 =	vsel vm11, v8, v3;
	v9 =	vsel vm11, $0x7, v4  }
.Ltmp0:
0x90: {  	v8 =	vsel vm8, v11, v8;
	v6 =	vsel vm8, v3, v11;
	v7 =	vsel vm8, v9, v5;
	(pc) =	sbr.rel @p0 .LBB2_2-.Ltmp0, $4  }
0x91: {  	vm10 =	veq.s32 v2, $0x4;
	v3 =	vnsel vm8, $0x7, v5;
	v5 =	vsub.f32 v6, v8;
	[tilespmem:s25+$0x4400] =	vst v7;
	v4 =	vpop (erf)  }
0x92: {  	vm12 =	veq.s32 v2, $0x2;
	vm11 =	veq.s32 v2, $0x3;
	[tilespmem:s25+$0x4000] =	vst v3;
	v8 =	vmul.f32 v4, v10  }
0x93: {  	vm13 =	veq.s32 v2, $0x0;
	vm14 =	veq.s32 v2, $0x1;
	v2 =	vmovc v7;
	v9 =	vmul.f32 $1.442695020e+00, v5  }
0x94: {  	v5 =	vnsel vm13, $0x0, v8;
	v6 =	vnsel vm14, $0x0, v8;
	v7 =	vnsel vm12, $0x0, v8  }
0x95: {  	(erf) = vpow2.f32 v9;
	_ =	sdelay $0x8  }
0x96: {  	v9 =	vpop (erf)  }
0x97: {  	v10 =	vadd.f32 $1.000000000e+00, v9;
	_ =	sdelay $0x1  }
0x98: {  	(erf) = vrcp.f32 v10;
	_ =	sdelay $0x3  }
0x99: {  	v50 =	vnsel vm11, $0x0, v8;
	v11 =	vnsel vm10, $0x0, v8;
	v12 =	vnsel vm9, $0x0, v8  }
0x9a: {  	v13 =	vnsel vm4, $0x0, v8;
	v53 =	vnsel vm5, $0x0, v8;
	v51 =	vsel vm6, v4, v12  }
0x9b: {  	vm4 =	vmmov vm8;
	vm9 =	veq.s32 v1, $0x0;
	v8 =	vsel vm0, v53, v4;
	[tilespmem:s24+$0x3400] =	vst v51  }
0x9c: {  	vm10 =	veq.s32 v1, $0x1;
	vm11 =	veq.s32 v1, $0x2;
	v52 =	vsel vm1, v4, v13;
	[tilespmem:s24+$0x3C00] =	vst v8  }
0x9d: {  	vm12 =	veq.s32 v2, $0x7;
	vm13 =	veq.s32 v2, $0x3;
	v11 =	vsel vm3, v4, v11;
	[tilespmem:s24+$0x3800] =	vst v52  }
0x9e: {  	vm14 =	veq.s32 v3, $0x5;
	vm15 =	veq.s32 v2, $0x5;
	v6 =	vsel vm10, v4, v6;
	[tilespmem:s24+$0x3000] =	vst v11;
	v1 =	vpop (erf)  }
0x9f: {  	vm1 =	veq.s32 v3, $0x4;
	v7 =	vsel vm11, v4, v7;
	[tilespmem:s24+$0x2400] =	vst v6;
	v54 =	vmul.f32 v1, v9  }
0xa0: {  	vm0 =	vmand vm7, vm8;
	vm3 =	veq.s32 v2, $0x6;
	v55 =	vsel vm9, v4, v5;
	[tilespmem:s24+$0x2800] =	vst v7  }
0xa1: {  	[tilespmem:s24+$0x2000] =	vst v55;
	v10 =	vsel vm2, v4, v50;
	vm2 =	veq.s32 v3, $0x3;
	v56 =	vnsel vm13, $0x0, v54  }
0xa2: {  	vm9 =	veq.s32 v2, $0x4;
	[tilespmem:s24+$0x2C00] =	vst v10;
	v57 =	vnsel vm15, $0x0, v54;
	v5 =	vsel vm2, v1, v56  }
0xa3: {  	vm10 =	veq.s32 v2, $0x2;
	v58 =	vnsel vm12, $0x0, v54;
	v4 =	vsel vm14, v1, v57;
	[tilespmem:s25+$0x2C00] =	vst v5  }
0xa4: {  	vm11 =	veq.s32 v2, $0x0;
	v59 =	vnsel vm3, $0x0, v54;
	v60 =	vsel vm4, v58, v1;
	[tilespmem:s25+$0x3400] =	vst v4  }
0xa5: {  	vm12 =	veq.s32 v2, $0x1;
	v2 =	vnsel vm9, $0x0, v54;
	v61 =	vsel vm0, v1, v59;
	[tilespmem:s25+$0x3C00] =	vst v60  }
0xa6: {  	vm13 =	veq.s32 v3, $0x1;
	v62 =	vnsel vm12, $0x0, v54;
	v2 =	vsel vm1, v1, v2;
	[tilespmem:s25+$0x3800] =	vst v61  }
0xa7: {  	v63 =	vnsel vm10, $0x0, v54;
	vm14 =	veq.s32 v3, $0x2;
	v4 =	vsel vm13, v1, v62;
	[tilespmem:s25+$0x3000] =	vst v2  }
0xa8: {  	vm15 =	veq.s32 v3, $0x0;
	v2 =	vnsel vm11, $0x0, v54;
	v3 =	vsel vm14, v1, v63;
	[tilespmem:s25+$0x2400] =	vst v4  }
0xa9: {  	v1 =	vsel vm15, v1, v2;
	[tilespmem:s25+$0x2800] =	vst v3  }
0xaa: {  	s28 =	simm.s32 $0x2000;
	[tilespmem:s25+$0x2000] =	vst v1  }
0xab: {  	[hbm4b:s10+s22] =	stream.strided.scatter [tilespmem:s28], [sflag:$0x1], $0x400, s23, s22, $0x38;
	[tilespmem:$0x4800] =	vst v63  }
0xac: {  	s25 =	simm.s32 $0x2400  }
0xad: {  	[hbm4b:s12+s22] =	stream.strided.scatter [tilespmem:s25], [sflag:$0x1], $0x400, s23, s22, $0x38;
	[tilespmem:$0x4800] =	vst v63  }
0xae: {  	s26 =	simm.s32 $0x2800  }
0xaf: {  	[hbm4b:s13+s22] =	stream.strided.scatter [tilespmem:s26], [sflag:$0x1], $0x400, s23, s22, $0x38;
	[tilespmem:$0x4800] =	vst v63  }
0xb0: {  	s28 =	simm.s32 $0x2C00  }
0xb1: {  	[hbm4b:s14+s22] =	stream.strided.scatter [tilespmem:s28], [sflag:$0x1], $0x400, s23, s22, $0x38;
	[tilespmem:$0x4800] =	vst v63  }
0xb2: {  	s25 =	simm.s32 $0x3000  }
0xb3: {  	[hbm4b:s15+s22] =	stream.strided.scatter [tilespmem:s25], [sflag:$0x1], $0x400, s23, s22, $0x38;
	[tilespmem:$0x4800] =	vst v63  }
0xb4: {  	s26 =	simm.s32 $0x3400  }
0xb5: {  	[hbm4b:s16+s22] =	stream.strided.scatter [tilespmem:s26], [sflag:$0x1], $0x400, s23, s22, $0x38;
	[tilespmem:$0x4800] =	vst v63  }
0xb6: {  	s28 =	simm.s32 $0x3800  }
0xb7: {  	[hbm4b:s17+s22] =	stream.strided.scatter [tilespmem:s28], [sflag:$0x1], $0x400, s23, s22, $0x38;
	[tilespmem:$0x4800] =	vst v63  }
0xb8: {  	_ = 	snop  }
0xb9: {  	[hbm4b:s19+s22] =	stream.strided.scatter [tilespmem:s29], [sflag:$0x1], $0x400, s23, s22, $0x38;
	[tilespmem:$0x4800] =	vst v63  }
0xba: {  	_ = 	snop  }
0xbb: {  	[hbm4b:s18+s22] =	stream.strided.scatter [tilespmem:s0], [sflag:$0x1], $0x400, s30, s22, $0x38;
	[tilespmem:$0x4800] =	vst v63  }
0xbc: {  	_ = 	snop  }
0xbd: {  	[hbm4b:s20+s22] =	stream.strided.scatter [tilespmem:s1], [sflag:$0x1], $0x400, s30, s22, $0x38;
	[tilespmem:$0x4800] =	vst v63  }
0xbe: {  	_ =	swait.ge [sflag:s31], $0x400  }
0xbf: {  	[sflag:s31] =	ssyncset.done $0x0  }
0xc0: {  	[sflag:s31] =	ssyncadd.s32 $0xFFFFFC00  }
0xc1: {  	_ =	swait.ge [sflag:s31], $0x400  }
0xc2: {  	[sflag:s31] =	ssyncset.done $0x0  }
0xc3: {  	[sflag:s31] =	ssyncadd.s32 $0xFFFFFC00  }
0xc4: {  	_ =	swait.ge [sflag:s31], $0x400  }
0xc5: {  	[sflag:s31] =	ssyncset.done $0x0  }
0xc6: {  	[sflag:s31] =	ssyncadd.s32 $0xFFFFFC00  }
0xc7: {  	_ =	swait.ge [sflag:s31], $0x400  }
0xc8: {  	[sflag:s31] =	ssyncset.done $0x0  }
0xc9: {  	[sflag:s31] =	ssyncadd.s32 $0xFFFFFC00  }
0xca: {  	_ =	swait.ge [sflag:s31], $0x400  }
0xcb: {  	[sflag:s31] =	ssyncset.done $0x0  }
0xcc: {  	[sflag:s31] =	ssyncadd.s32 $0xFFFFFC00  }
0xcd: {  	_ =	swait.ge [sflag:s31], $0x400  }
0xce: {  	[sflag:s31] =	ssyncset.done $0x0  }
0xcf: {  	[sflag:s31] =	ssyncadd.s32 $0xFFFFFC00  }
0xd0: {  	_ =	swait.ge [sflag:s31], $0x400  }
0xd1: {  	[sflag:s31] =	ssyncset.done $0x0  }
0xd2: {  	[sflag:s31] =	ssyncadd.s32 $0xFFFFFC00  }
0xd3: {  	_ =	swait.ge [sflag:s31], $0x400  }
0xd4: {  	[sflag:s31] =	ssyncset.done $0x0  }
0xd5: {  	s2 =	sadd.s32 $0x1, s2;
	[sflag:s31] =	ssyncadd.s32 $0xFFFFFC00  }
0xd6: {  	p0 =	sne.s32 s2, s21;
	_ =	swait.ge [sflag:s31], $0x400  }
.Ltmp1:
0xd7: {  	[sflag:s31] =	ssyncset.done $0x0;
	(pc) =	sbr.rel @p0 .LBB2_1-.Ltmp1, $4  }
0xd8: {  	[sflag:s31] =	ssyncadd.s32 $0xFFFFFC00  }
0xd9: {  	_ =	swait.ge [sflag:s31], $0x400  }
0xda: {  	[sflag:s31] =	ssyncset.done $0x0  }
0xdb: {  	[sflag:s31] =	ssyncadd.s32 $0xFFFFFC00  }
0xdc: {  	_ =	sfence.sel $0x180000  }
0xdd: {  	[bflag:$0x0] =	sbarrier.arrive $0xFFFF  }
0xde: {  	_ =	strace $0x90000047  }
0xdf: {  	s0 =	stileid.u32;
	[bflag:$0x2] =	sbarrier.arrive $0xFFFF  }
0xe0: {  	p0 =	sne.s32 s0, $0x0;
	s0 =	rddreg [dreg:$0x3]  }
0xe1: {  	s0 =	sadd.s32 @!p0 $0x100000, s0  }
0xe2: {  	[sflag:s0] =	ssyncadd.tile.s32 @!p0 $0x1;
	_ =	shalt  }
.Lfunc_end2:
_tile_overlayer_lowered:
.L_overlay_start_2:
0xe3: {  	(tag) =	ssettag $0x2  }
0xe4: {  	s0 =	rddreg [dreg:$0x0];
	s2 =	stileid.u32  }
0xe5: {  	s1 =	rddreg [dreg:$0x1];
	p0 =	sne.s32 s2, $0x0  }
0xe6: {  	s3 =	rddreg [dreg:$0x2];
	[bflag:$0x3] =	sbarrier.arrive $0xFFFF;
	s2 =	simm.s32 @!p0 $0x1C02  }
0xe7: {  	[timem:s3], [sflag:s2] =	dma.local @!p0 [hbm:s0], s1  }
0xe8: {  	s0 =	simm.s32 @!p0 $0x2  }
0xe9: {  	_ =	swait.ge @!p0 [sflag:s0], s1  }
0xea: {  	s1 =	ssub.s32 @!p0 $0x0, s1;
	[sflag:s0] =	ssyncset.done @!p0 $0x0  }
0xeb: {  	[sflag:s0] =	ssyncadd.s32 @!p0 s1  }
0xec: {  	[bflag:$0x3] =	sbarrier.arrive $0xFFFF  }
0xed: {  	_ =	shalt  }

</sc_bundles>
